<compile_context>
chip_gen: v7x
topology: tpu7x:2x2x1
jax: 0.10.2.dev20260603
libtpu: 0.0.44.dev20260713+nightly
codegen_flags: <defaults>
</compile_context>

<pallas_src>
import functools

import jax
import jax.numpy as jnp
from jax import lax
from jax.experimental import pallas as pl
from jax.experimental.pallas import tpu as pltpu
from jax.experimental.pallas import tpu_sc as plsc

B, C, N = 4, 32, 1024
KT, K = 50, 20
L = KT * C
BM = 320
BN = 256
BK = 128


def _dot(a, b, ca, cb):
    return lax.dot_general(a, b, dimension_numbers=(((ca,), (cb,)), ((), ())),
                           preferred_element_type=jnp.float32)


def _bdot(a, b, ca, cb):
    return lax.dot_general(a.astype(jnp.bfloat16), b.astype(jnp.bfloat16),
                           dimension_numbers=(((ca,), (cb,)), ((), ())),
                           preferred_element_type=jnp.float32)


def _ln(x, g, b):
    mu = jnp.mean(x, axis=-1, keepdims=True)
    var = jnp.mean((x - mu) ** 2, axis=-1, keepdims=True)
    return (x - mu) / jnp.sqrt(var + 1e-5) * g + b


def _knn_body(xf_ref, xb_ref, idx_ref):
    b = pl.program_id(0)
    xf = xf_ref[0]
    xb = xb_ref[0]
    xsq = jnp.sum(xf * xf, axis=0, keepdims=True)
    xx = _bdot(xb, xf, 0, 0)
    sqb = jnp.sum(xb * xb, axis=0)[:, None]
    dist = (-xsq - sqb) + 2.0 * xx
    lanes = lax.broadcasted_iota(jnp.int32, (BK, N), 1)
    cols = lax.broadcasted_iota(jnp.int32, (BK, KT), 1)
    boff = b * N

    def step(t, carry):
        d, res = carry
        m = jnp.max(d, axis=1, keepdims=True)
        cand = jnp.where(d == m, lanes, N)
        a = jnp.min(cand, axis=1, keepdims=True)
        res = jnp.where(cols == t, a + boff, res)
        d = jnp.where(lanes == a, -jnp.inf, d)
        return d, res

    _, res = lax.fori_loop(0, KT, step,
                           (dist, jnp.zeros((BK, KT), jnp.int32)))
    idx_ref[0] = res


def _knn(x):
    return pl.pallas_call(
        _knn_body,
        grid=(B, N // BK),
        in_specs=[pl.BlockSpec((1, C, N), lambda b, i: (b, 0, 0)),
                  pl.BlockSpec((1, C, BK), lambda b, i: (b, 0, i))],
        out_specs=pl.BlockSpec((1, BK, KT), lambda b, i: (b, i, 0)),
        out_shape=jax.ShapeDtypeStruct((B, N, KT), jnp.int32),
    )(x, x)


def _sc_gather(table, idx2d):
    info = plsc.get_sparse_core_info()
    nw = info.num_cores * info.num_subcores
    R = idx2d.shape[0]
    rpw = R // nw
    idx3d = idx2d.reshape(nw, rpw, 128)
    D = table.shape[1]

    @functools.partial(
        pl.kernel,
        mesh=plsc.VectorSubcoreMesh(core_axis_name="c", subcore_axis_name="s"),
        out_type=jax.ShapeDtypeStruct((R * 128, D), jnp.float32),
        scratch_types=[pltpu.VMEM((rpw, 128), jnp.int32),
                       pltpu.VMEM((128, D), jnp.float32),
                       pltpu.SemaphoreType.DMA],
    )
    def k(table_hbm, idx_hbm, out_hbm, idx_v, rows_v, sem):
        wid = lax.axis_index("s") * info.num_cores + lax.axis_index("c")
        pltpu.sync_copy(idx_hbm.at[wid], idx_v)

        def body(ci, _):
            pltpu.async_copy(table_hbm.at[idx_v.at[ci]], rows_v, sem).wait()
            pltpu.sync_copy(rows_v,
                            out_hbm.at[pl.ds((wid * rpw + ci) * 128, 128)])
            return 0

        lax.fori_loop(0, rpw, body, 0)

    return k(table, idx3d)


def _tile_center(raw, x_b):
    return raw - jnp.concatenate([x_b] * (BM // C), axis=0)


def _kv_body(xr_ref, x_ref, wk_ref, bk_ref, wv_ref, bv_ref, k_ref, v_ref):
    xc = _tile_center(xr_ref[0], x_ref[0])
    k_ref[0] = _dot(xc, wk_ref[...], 1, 1) + bk_ref[...]
    v_ref[0] = _dot(xc, wv_ref[...], 1, 1) + bv_ref[...]


def _kv(flat_raw, x, Wk, bk, Wv, bv):
    return pl.pallas_call(
        _kv_body,
        grid=(B, L // BM),
        in_specs=[pl.BlockSpec((1, BM, N), lambda b, i: (b, i, 0)),
                  pl.BlockSpec((1, C, N), lambda b, i: (b, 0, 0)),
                  pl.BlockSpec((N, N), lambda b, i: (0, 0)),
                  pl.BlockSpec((1, N), lambda b, i: (0, 0)),
                  pl.BlockSpec((N, N), lambda b, i: (0, 0)),
                  pl.BlockSpec((1, N), lambda b, i: (0, 0))],
        out_specs=[pl.BlockSpec((1, BM, N), lambda b, i: (b, i, 0)),
                   pl.BlockSpec((1, BM, N), lambda b, i: (b, i, 0))],
        out_shape=[jax.ShapeDtypeStruct((B, L, N), jnp.float32),
                   jax.ShapeDtypeStruct((B, L, N), jnp.float32)],
    )(flat_raw, x, Wk, bk, Wv, bv)


def _attn_body(xr_ref, x_ref, kk_ref, vv_ref, wq_ref, bq_ref, wd_ref, bd_ref,
               g1_ref, b1_ref, g2_ref, b2_ref, wfc_ref, bfc_ref, s_ref):
    xc = _tile_center(xr_ref[0], x_ref[0])
    q = _dot(xc, wq_ref[...], 1, 1) + bq_ref[...]
    logits = _dot(q, kk_ref[0], 1, 1) * (1.0 / 32.0)
    m = jnp.max(logits, axis=1, keepdims=True)
    e = jnp.exp(logits - m)
    attn = e / jnp.sum(e, axis=1, keepdims=True)
    o = _dot(attn, vv_ref[0], 1, 0)
    h = _ln(o + xc, g1_ref[...], b1_ref[...])
    d = _dot(h, wd_ref[...], 1, 1) + bd_ref[...]
    x2 = _ln(d + h, g2_ref[...], b2_ref[...])
    x3 = x2 + xc
    G = BM // C
    wrow = jnp.concatenate([wfc_ref[...]] * G, axis=1)
    rows = lax.broadcasted_iota(jnp.int32, (G, BM), 0)
    lanes = lax.broadcasted_iota(jnp.int32, (G, BM), 1)
    wsel = jnp.where(lanes // C == rows,
                     jnp.broadcast_to(wrow, (G, BM)), 0.0)
    s_ref[0, 0] = _dot(wsel, x3, 1, 0) + bfc_ref[0, 0]


def _attn(flat_raw, x, Km, Vm, Wq, bq, Wd, bd, g1, b1, g2, b2, Wfc, bfc):
    return pl.pallas_call(
        _attn_body,
        grid=(B, L // BM),
        in_specs=[pl.BlockSpec((1, BM, N), lambda b, i: (b, i, 0)),
                  pl.BlockSpec((1, C, N), lambda b, i: (b, 0, 0)),
                  pl.BlockSpec((1, L, N), lambda b, i: (b, 0, 0)),
                  pl.BlockSpec((1, L, N), lambda b, i: (b, 0, 0)),
                  pl.BlockSpec((N, N), lambda b, i: (0, 0)),
                  pl.BlockSpec((1, N), lambda b, i: (0, 0)),
                  pl.BlockSpec((N, N), lambda b, i: (0, 0)),
                  pl.BlockSpec((1, N), lambda b, i: (0, 0)),
                  pl.BlockSpec((1, N), lambda b, i: (0, 0)),
                  pl.BlockSpec((1, N), lambda b, i: (0, 0)),
                  pl.BlockSpec((1, N), lambda b, i: (0, 0)),
                  pl.BlockSpec((1, N), lambda b, i: (0, 0)),
                  pl.BlockSpec((1, C), lambda b, i: (0, 0)),
                  pl.BlockSpec((1, 1), lambda b, i: (0, 0))],
        out_specs=pl.BlockSpec((1, 1, BM // C, N), lambda b, i: (b, i, 0, 0)),
        out_shape=jax.ShapeDtypeStruct((B, L // BM, BM // C, N), jnp.float32),
    )(flat_raw, x, Km, Vm, Wq, bq, Wd, bd, g1, b1, g2, b2, Wfc, bfc)


def _argmin_body(s_ref, gidx_ref):
    b = pl.program_id(0)
    i = pl.program_id(1)
    s = s_ref[0]
    lanes = lax.broadcasted_iota(jnp.int32, (BN, KT), 1)
    cols = lax.broadcasted_iota(jnp.int32, (BN, K), 1)
    rows = lax.broadcasted_iota(jnp.int32, (BN, 1), 0)
    base = (b * N + i * BN + rows) * KT

    def step(t, carry):
        sv, res = carry
        m = jnp.min(sv, axis=1, keepdims=True)
        cand = jnp.where(sv == m, lanes, KT)
        a = jnp.min(cand, axis=1, keepdims=True)
        res = jnp.where(cols == t, base + a, res)
        sv = jnp.where(lanes == a, jnp.inf, sv)
        return sv, res

    _, res = lax.fori_loop(0, K, step,
                           (s, jnp.zeros((BN, K), jnp.int32)))
    gidx_ref[0] = res


def _argmin(st):
    return pl.pallas_call(
        _argmin_body,
        grid=(B, N // BN),
        in_specs=[pl.BlockSpec((1, BN, KT), lambda b, i: (b, i, 0))],
        out_specs=pl.BlockSpec((1, BN, K), lambda b, i: (b, i, 0)),
        out_shape=jax.ShapeDtypeStruct((B, N, K), jnp.int32),
    )(st)


def _finish_body(ar_ref, xt_ref, out_ref):
    out_ref[0] = ar_ref[0][:, :, :C] - xt_ref[0][:, None, :]


def _finish(ans_raw, xt3):
    return pl.pallas_call(
        _finish_body,
        grid=(B, N // BN),
        in_specs=[pl.BlockSpec((1, BN, K, 128), lambda b, i: (b, i, 0, 0)),
                  pl.BlockSpec((1, BN, C), lambda b, i: (b, i, 0))],
        out_specs=pl.BlockSpec((1, BN, K, C), lambda b, i: (b, i, 0, 0)),
        out_shape=jax.ShapeDtypeStruct((B, N, K, C), jnp.float32),
    )(ans_raw, xt3)


def kernel(x, Wq, bq, Wk, bk, Wv, bv, Wd, bd, Wfc, bfc, g1, beta1, g2, beta2):
    xt = jnp.transpose(x, (0, 2, 1))
    table = jnp.pad(xt.reshape(B * N, C), ((0, 0), (0, 128 - C)))
    idxg = _knn(x)
    feat = _sc_gather(table, idxg.reshape(-1, 128))
    feat4 = feat.reshape(B, N, KT, 128)
    flat_raw = jnp.transpose(feat4[..., :C], (0, 2, 3, 1)).reshape(B, L, N)
    Km, Vm = _kv(flat_raw, x, Wk, bk.reshape(1, N), Wv, bv.reshape(1, N))
    s = _attn(flat_raw, x, Km, Vm, Wq, bq.reshape(1, N), Wd, bd.reshape(1, N),
              g1.reshape(1, N), beta1.reshape(1, N),
              g2.reshape(1, N), beta2.reshape(1, N),
              Wfc, bfc.reshape(1, 1))
    st = jnp.transpose(s.reshape(B, KT, N), (0, 2, 1))
    gidx = _argmin(st)
    ans_rows = _sc_gather(feat, gidx.reshape(-1, 128))
    ans = _finish(ans_rows.reshape(B, N, K, 128), xt)
    return jnp.transpose(ans, (0, 3, 2, 1))

# --- scband reference (transcript-rebuilt; emitter-appended) ---
"""Pipeline reference for scband-new-knn-43052752175170 (READ-ONLY COPY).

The authoritative reference and input builder live on the scoring server;
editing this copy changes nothing except your own understanding.
"""

import jax, jax.numpy as jnp
import numpy as np

B, C, N = 4, 32, 1024
K_TMP, K = 50, 20


def _linear_params(key, out_f, in_f):
    kw, kb = jax.random.split(key)
    bound = 1.0 / np.sqrt(in_f)
    W = jax.random.uniform(kw, (out_f, in_f), minval=-bound, maxval=bound, dtype=jnp.float32)
    b = jax.random.uniform(kb, (out_f,), minval=-bound, maxval=bound, dtype=jnp.float32)
    return W, b


def setup_inputs(seed: int = 0) -> dict:
    key = jax.random.key(seed)
    ks = jax.random.split(key, 8)
    x = jax.random.normal(ks[0], (B, C, N), dtype=jnp.float32)
    Wq, bq = _linear_params(ks[1], N, N)
    Wk, bk = _linear_params(ks[2], N, N)
    Wv, bv = _linear_params(ks[3], N, N)
    Wd, bd = _linear_params(ks[4], N, N)
    Wfc, bfc = _linear_params(ks[5], 1, C)
    g1 = jnp.ones((N,), dtype=jnp.float32)
    beta1 = jnp.zeros((N,), dtype=jnp.float32)
    g2 = jnp.ones((N,), dtype=jnp.float32)
    beta2 = jnp.zeros((N,), dtype=jnp.float32)
    return {"x": x, "Wq": Wq, "bq": bq, "Wk": Wk, "bk": bk, "Wv": Wv, "bv": bv,
            "Wd": Wd, "bd": bd, "Wfc": Wfc, "bfc": bfc,
            "g1": g1, "beta1": beta1, "g2": g2, "beta2": beta2}


def _layer_norm(x, g, b, eps=1e-5):
    mu = jnp.mean(x, axis=-1, keepdims=True)
    var = jnp.mean((x - mu) ** 2, axis=-1, keepdims=True)
    return (x - mu) / jnp.sqrt(var + eps) * g + b


def _knn_idx(x, k):
    # x: [B, C, N]
    xsqu = jnp.sum(x ** 2, axis=1, keepdims=True)           # [B, 1, N]
    xx = jnp.matmul(jnp.swapaxes(x, 2, 1), x)               # [B, N, N]
    distance = -xsqu - jnp.swapaxes(xsqu, 2, 1) + 2.0 * xx  # [B, N, N]
    idx = jax.lax.top_k(distance, k)[1]                      # [B, N, k]
    return idx


def reference(x, Wq, bq, Wk, bk, Wv, bv, Wd, bd, Wfc, bfc, g1, beta1, g2, beta2):
    B_, C_, N_ = x.shape
    idx = _knn_idx(x, K_TMP)                                 # [B, N, k_tmp]
    xt = jnp.swapaxes(x, 2, 1)                               # [B, N, C]
    feature = xt[jnp.arange(B_)[:, None, None], idx]         # [B, N, k_tmp, C]
    # NOTE: in the torch code, x_with_neighbour -= center is in-place, so
    # x_copied aliases the *centered* features.
    xwn = feature - xt[:, :, None, :]                        # [B, N, k_tmp, C]
    x_copied = xwn
    xwn_p = jnp.transpose(xwn, (0, 2, 3, 1))                 # [B, k_tmp, C, N]
    flat = xwn_p.reshape(B_, K_TMP * C_, N_)
    q = jnp.matmul(flat, Wq.T) + bq
    k_ = jnp.matmul(flat, Wk.T) + bk
    v = jnp.matmul(flat, Wv.T) + bv
    logits = jnp.matmul(q, jnp.swapaxes(k_, -2, -1)) / jnp.sqrt(jnp.float32(N_))
    attn = jax.nn.softmax(logits, axis=-1)
    out = jnp.matmul(attn, v)                                # [B, k_tmp*C, N]
    # AddNorm: dropout (eval mode -> identity) + residual + LayerNorm over N
    out = _layer_norm(out + flat, g1, beta1)
    d = jnp.matmul(out, Wd.T) + bd
    x2 = _layer_norm(d + out, g2, beta2)
    x3 = x2.reshape(B_, K_TMP, C_, N_) + xwn_p               # [B, k_tmp, C, N]
    x4 = jnp.transpose(x3, (0, 3, 1, 2))                     # [B, N, k_tmp, C]
    s = (jnp.matmul(x4, Wfc.T) + bfc).reshape(B_, N_, K_TMP) # [B, N, k_tmp]
    indices = jnp.argsort(s, axis=-1)[:, :, :K]              # [B, N, K]
    ans = jnp.take_along_axis(x_copied, indices[..., None], axis=2)  # [B, N, K, C]
    return jnp.transpose(ans, (0, 3, 2, 1))                  # [B, C, K, N]

if __name__ == "__main__":
    import jax
    _d = setup_inputs()
    print(jax.jit(kernel)(*tuple(_d.values())))

</pallas_src>

<mosaic_0001>
#map = affine_map<(d0, d1) -> (0, 0)>
#map1 = affine_map<(d0, d1) -> (0, 0, 0)>
module attributes {stable_mosaic.version = 14 : i64} {
  func.func @k(%arg0: i32, %arg1: i32, %arg2: memref<4096x128xf32, #tpu.memory_space<hbm>>, %arg3: memref<32x50x128xi32, #tpu.memory_space<hbm>>, %arg4: memref<204800x128xf32, #tpu.memory_space<hbm>>, %arg5: memref<50x128xi32, #tpu.memory_space<vmem>>, %arg6: memref<128x128xf32, #tpu.memory_space<vmem>>, %arg7: memref<!tpu.dma_semaphore, #tpu.memory_space<semaphore_mem>>) attributes {dimension_semantics = [#tpu.dimension_semantics<core_parallel>, #tpu.dimension_semantics<subcore_parallel>], iteration_bounds = array<i64: 2, 16>, scalar_prefetch = 0 : i64, scratch_operands = 3 : i64, tpu.core_type = #tpu.core_type<sc_vector_subcore>, window_params = [{transform_indices = #map}, {transform_indices = #map1}, {transform_indices = #map}]} {
    %mul3A = arith.constant 2 : i32
    %mul3A_0 = arith.muli %arg1, %mul3A : i32
    %add3A = arith.addi %mul3A_0, %arg0 : i32
    "tpu.region"() ({
      %run_scoped3A = tpu.sem_alloc : memref<!tpu.dma_semaphore, #tpu.memory_space<semaphore_mem>>
      %dma_start3A = arith.constant 0 : i32
      %dma_start3A_7 = arith.constant 0 : i32
      %dma_start3A_8 = tpu.memref_slice %arg3[%add3A, %dma_start3A, %dma_start3A_7] : memref<32x50x128xi32, #tpu.memory_space<hbm>> -> memref<1x50x128xi32, #tpu.memory_space<hbm>>
      %dma_start3A_9 = tpu.memref_squeeze %dma_start3A_8 : memref<1x50x128xi32, #tpu.memory_space<hbm>> -> memref<50x128xi32, #tpu.memory_space<hbm>>
      %dma_start3A_10 = arith.constant 0 : i32
      %dma_start3A_11 = arith.constant 0 : i32
      %dma_start3A_12 = tpu.memref_slice %arg3[%add3A, %dma_start3A_10, %dma_start3A_11] : memref<32x50x128xi32, #tpu.memory_space<hbm>> -> memref<1x50x128xi32, #tpu.memory_space<hbm>>
      %dma_start3A_13 = tpu.memref_squeeze %dma_start3A_12 : memref<1x50x128xi32, #tpu.memory_space<hbm>> -> memref<50x128xi32, #tpu.memory_space<hbm>>
      tpu.enqueue_dma source(%dma_start3A_13 : memref<50x128xi32, #tpu.memory_space<hbm>>) target(%arg5 : memref<50x128xi32, #tpu.memory_space<vmem>>) target_semaphore(%run_scoped3A : memref<!tpu.dma_semaphore, #tpu.memory_space<semaphore_mem>>)
      %dma_wait3A = arith.constant 0 : i32
      %dma_wait3A_14 = arith.constant 0 : i32
      %dma_wait3A_15 = tpu.memref_slice %arg3[%add3A, %dma_wait3A, %dma_wait3A_14] : memref<32x50x128xi32, #tpu.memory_space<hbm>> -> memref<1x50x128xi32, #tpu.memory_space<hbm>>
      %dma_wait3A_16 = tpu.memref_squeeze %dma_wait3A_15 : memref<1x50x128xi32, #tpu.memory_space<hbm>> -> memref<50x128xi32, #tpu.memory_space<hbm>>
      %dma_wait3A_17 = arith.constant 0 : i32
      %dma_wait3A_18 = arith.constant 0 : i32
      %dma_wait3A_19 = tpu.memref_slice %arg3[%add3A, %dma_wait3A_17, %dma_wait3A_18] : memref<32x50x128xi32, #tpu.memory_space<hbm>> -> memref<1x50x128xi32, #tpu.memory_space<hbm>>
      %dma_wait3A_20 = tpu.memref_squeeze %dma_wait3A_19 : memref<1x50x128xi32, #tpu.memory_space<hbm>> -> memref<50x128xi32, #tpu.memory_space<hbm>>
      tpu.wait_dma2 semaphore(%run_scoped3A : memref<!tpu.dma_semaphore, #tpu.memory_space<semaphore_mem>>) src(%dma_wait3A_20 : memref<50x128xi32, #tpu.memory_space<hbm>>) dst(%arg5 : memref<50x128xi32, #tpu.memory_space<vmem>>)
      tpu.yield
    }) : () -> ()
    %scan3A = arith.constant 0 : i32
    %scan3A_1 = arith.constant 0 : i32
    %scan3A_2 = arith.constant 50 : i32
    %scan3A_3 = arith.addi %scan3A_1, %scan3A_2 : i32
    %scan3A_4 = arith.constant 1 : i32
    %scan3A_5 = scf.for %scan3A_7 = %scan3A_1 to %scan3A_3 step %scan3A_4 iter_args(%scan3A_8 = %scan3A) -> (i32)  : i32 {
      %dma_start3A = arith.constant 0 : i32
      %dma_start3A_9 = tpu.memref_slice %arg5[%scan3A_7, %dma_start3A] : memref<50x128xi32, #tpu.memory_space<vmem>> -> memref<1x128xi32, #tpu.memory_space<vmem>>
      %dma_start3A_10 = tpu.memref_squeeze %dma_start3A_9 : memref<1x128xi32, #tpu.memory_space<vmem>> -> memref<128xi32, #tpu.memory_space<vmem>>
      %dma_start3A_11 = arith.constant 0 : i32
      %dma_start3A_12 = arith.constant 0 : i32
      %dma_start3A_13 = tpu.memref_slice %arg2[%dma_start3A_11, %dma_start3A_12] : memref<4096x128xf32, #tpu.memory_space<hbm>> -> memref<4096x128xf32, #tpu.memory_space<hbm>>
      tpu.enqueue_indirect_dma source(%dma_start3A_13 : memref<4096x128xf32, #tpu.memory_space<hbm>>) target(%arg6 : memref<128x128xf32, #tpu.memory_space<vmem>>) offsets(%dma_start3A_10 : memref<128xi32, #tpu.memory_space<vmem>>) semaphore(%arg7 : memref<!tpu.dma_semaphore, #tpu.memory_space<semaphore_mem>>)
      %dma_wait3A = arith.constant 0 : i32
      %dma_wait3A_14 = tpu.memref_slice %arg5[%scan3A_7, %dma_wait3A] : memref<50x128xi32, #tpu.memory_space<vmem>> -> memref<1x128xi32, #tpu.memory_space<vmem>>
      %dma_wait3A_15 = tpu.memref_squeeze %dma_wait3A_14 : memref<1x128xi32, #tpu.memory_space<vmem>> -> memref<128xi32, #tpu.memory_space<vmem>>
      %dma_wait3A_16 = arith.constant 0 : i32
      %dma_wait3A_17 = arith.constant 0 : i32
      %dma_wait3A_18 = tpu.memref_slice %arg2[%dma_wait3A_16, %dma_wait3A_17] : memref<4096x128xf32, #tpu.memory_space<hbm>> -> memref<4096x128xf32, #tpu.memory_space<hbm>>
      tpu.wait_indirect_dma semaphore(%arg7 : memref<!tpu.dma_semaphore, #tpu.memory_space<semaphore_mem>>) src(%dma_wait3A_18 : memref<4096x128xf32, #tpu.memory_space<hbm>>) dst(%arg6 : memref<128x128xf32, #tpu.memory_space<vmem>>)
      %mul3A_19 = arith.constant 50 : i32
      %mul3A_20 = arith.muli %add3A, %mul3A_19 : i32
      %add3A_21 = arith.addi %mul3A_20, %scan3A_7 : i32
      %mul3A_22 = arith.constant 128 : i32
      %mul3A_23 = arith.muli %add3A_21, %mul3A_22 : i32
      "tpu.region"() ({
        %run_scoped3A = tpu.sem_alloc : memref<!tpu.dma_semaphore, #tpu.memory_space<semaphore_mem>>
        %dma_start3A_25 = arith.constant 0 : i32
        %dma_start3A_26 = tpu.memref_slice %arg4[%mul3A_23, %dma_start3A_25] : memref<204800x128xf32, #tpu.memory_space<hbm>> -> memref<128x128xf32, #tpu.memory_space<hbm>>
        %dma_start3A_27 = arith.constant 0 : i32
        %dma_start3A_28 = tpu.memref_slice %arg4[%mul3A_23, %dma_start3A_27] : memref<204800x128xf32, #tpu.memory_space<hbm>> -> memref<128x128xf32, #tpu.memory_space<hbm>>
        tpu.enqueue_dma source(%arg6 : memref<128x128xf32, #tpu.memory_space<vmem>>) target(%dma_start3A_28 : memref<128x128xf32, #tpu.memory_space<hbm>>) target_semaphore(%run_scoped3A : memref<!tpu.dma_semaphore, #tpu.memory_space<semaphore_mem>>)
        %dma_wait3A_29 = arith.constant 0 : i32
        %dma_wait3A_30 = tpu.memref_slice %arg4[%mul3A_23, %dma_wait3A_29] : memref<204800x128xf32, #tpu.memory_space<hbm>> -> memref<128x128xf32, #tpu.memory_space<hbm>>
        %dma_wait3A_31 = arith.constant 0 : i32
        %dma_wait3A_32 = tpu.memref_slice %arg4[%mul3A_23, %dma_wait3A_31] : memref<204800x128xf32, #tpu.memory_space<hbm>> -> memref<128x128xf32, #tpu.memory_space<hbm>>
        tpu.wait_dma2 semaphore(%run_scoped3A : memref<!tpu.dma_semaphore, #tpu.memory_space<semaphore_mem>>) src(%arg6 : memref<128x128xf32, #tpu.memory_space<vmem>>) dst(%dma_wait3A_32 : memref<128x128xf32, #tpu.memory_space<hbm>>)
        tpu.yield
      }) : () -> ()
      %scan3A_24 = arith.constant 0 : i32
      scf.yield %scan3A_24 : i32
    }
    %scan3A_6 = arith.constant 50 : i32
    return
  }
}

#map = affine_map<(d0, d1) -> (0, 0)>
#map1 = affine_map<(d0, d1) -> (0, 0, 0)>
module attributes {stable_mosaic.version = 14 : i64} {
  func.func @k(%arg0: i32, %arg1: i32, %arg2: memref<204800x128xf32, #tpu.memory_space<hbm>>, %arg3: memref<32x20x128xi32, #tpu.memory_space<hbm>>, %arg4: memref<81920x128xf32, #tpu.memory_space<hbm>>, %arg5: memref<20x128xi32, #tpu.memory_space<vmem>>, %arg6: memref<128x128xf32, #tpu.memory_space<vmem>>, %arg7: memref<!tpu.dma_semaphore, #tpu.memory_space<semaphore_mem>>) attributes {dimension_semantics = [#tpu.dimension_semantics<core_parallel>, #tpu.dimension_semantics<subcore_parallel>], iteration_bounds = array<i64: 2, 16>, scalar_prefetch = 0 : i64, scratch_operands = 3 : i64, tpu.core_type = #tpu.core_type<sc_vector_subcore>, window_params = [{transform_indices = #map}, {transform_indices = #map1}, {transform_indices = #map}]} {
    %mul3A = arith.constant 2 : i32
    %mul3A_0 = arith.muli %arg1, %mul3A : i32
    %add3A = arith.addi %mul3A_0, %arg0 : i32
    "tpu.region"() ({
      %run_scoped3A = tpu.sem_alloc : memref<!tpu.dma_semaphore, #tpu.memory_space<semaphore_mem>>
      %dma_start3A = arith.constant 0 : i32
      %dma_start3A_7 = arith.constant 0 : i32
      %dma_start3A_8 = tpu.memref_slice %arg3[%add3A, %dma_start3A, %dma_start3A_7] : memref<32x20x128xi32, #tpu.memory_space<hbm>> -> memref<1x20x128xi32, #tpu.memory_space<hbm>>
      %dma_start3A_9 = tpu.memref_squeeze %dma_start3A_8 : memref<1x20x128xi32, #tpu.memory_space<hbm>> -> memref<20x128xi32, #tpu.memory_space<hbm>>
      %dma_start3A_10 = arith.constant 0 : i32
      %dma_start3A_11 = arith.constant 0 : i32
      %dma_start3A_12 = tpu.memref_slice %arg3[%add3A, %dma_start3A_10, %dma_start3A_11] : memref<32x20x128xi32, #tpu.memory_space<hbm>> -> memref<1x20x128xi32, #tpu.memory_space<hbm>>
      %dma_start3A_13 = tpu.memref_squeeze %dma_start3A_12 : memref<1x20x128xi32, #tpu.memory_space<hbm>> -> memref<20x128xi32, #tpu.memory_space<hbm>>
      tpu.enqueue_dma source(%dma_start3A_13 : memref<20x128xi32, #tpu.memory_space<hbm>>) target(%arg5 : memref<20x128xi32, #tpu.memory_space<vmem>>) target_semaphore(%run_scoped3A : memref<!tpu.dma_semaphore, #tpu.memory_space<semaphore_mem>>)
      %dma_wait3A = arith.constant 0 : i32
      %dma_wait3A_14 = arith.constant 0 : i32
      %dma_wait3A_15 = tpu.memref_slice %arg3[%add3A, %dma_wait3A, %dma_wait3A_14] : memref<32x20x128xi32, #tpu.memory_space<hbm>> -> memref<1x20x128xi32, #tpu.memory_space<hbm>>
      %dma_wait3A_16 = tpu.memref_squeeze %dma_wait3A_15 : memref<1x20x128xi32, #tpu.memory_space<hbm>> -> memref<20x128xi32, #tpu.memory_space<hbm>>
      %dma_wait3A_17 = arith.constant 0 : i32
      %dma_wait3A_18 = arith.constant 0 : i32
      %dma_wait3A_19 = tpu.memref_slice %arg3[%add3A, %dma_wait3A_17, %dma_wait3A_18] : memref<32x20x128xi32, #tpu.memory_space<hbm>> -> memref<1x20x128xi32, #tpu.memory_space<hbm>>
      %dma_wait3A_20 = tpu.memref_squeeze %dma_wait3A_19 : memref<1x20x128xi32, #tpu.memory_space<hbm>> -> memref<20x128xi32, #tpu.memory_space<hbm>>
      tpu.wait_dma2 semaphore(%run_scoped3A : memref<!tpu.dma_semaphore, #tpu.memory_space<semaphore_mem>>) src(%dma_wait3A_20 : memref<20x128xi32, #tpu.memory_space<hbm>>) dst(%arg5 : memref<20x128xi32, #tpu.memory_space<vmem>>)
      tpu.yield
    }) : () -> ()
    %scan3A = arith.constant 0 : i32
    %scan3A_1 = arith.constant 0 : i32
    %scan3A_2 = arith.constant 20 : i32
    %scan3A_3 = arith.addi %scan3A_1, %scan3A_2 : i32
    %scan3A_4 = arith.constant 1 : i32
    %scan3A_5 = scf.for %scan3A_7 = %scan3A_1 to %scan3A_3 step %scan3A_4 iter_args(%scan3A_8 = %scan3A) -> (i32)  : i32 {
      %dma_start3A = arith.constant 0 : i32
      %dma_start3A_9 = tpu.memref_slice %arg5[%scan3A_7, %dma_start3A] : memref<20x128xi32, #tpu.memory_space<vmem>> -> memref<1x128xi32, #tpu.memory_space<vmem>>
      %dma_start3A_10 = tpu.memref_squeeze %dma_start3A_9 : memref<1x128xi32, #tpu.memory_space<vmem>> -> memref<128xi32, #tpu.memory_space<vmem>>
      %dma_start3A_11 = arith.constant 0 : i32
      %dma_start3A_12 = arith.constant 0 : i32
      %dma_start3A_13 = tpu.memref_slice %arg2[%dma_start3A_11, %dma_start3A_12] : memref<204800x128xf32, #tpu.memory_space<hbm>> -> memref<204800x128xf32, #tpu.memory_space<hbm>>
      tpu.enqueue_indirect_dma source(%dma_start3A_13 : memref<204800x128xf32, #tpu.memory_space<hbm>>) target(%arg6 : memref<128x128xf32, #tpu.memory_space<vmem>>) offsets(%dma_start3A_10 : memref<128xi32, #tpu.memory_space<vmem>>) semaphore(%arg7 : memref<!tpu.dma_semaphore, #tpu.memory_space<semaphore_mem>>)
      %dma_wait3A = arith.constant 0 : i32
      %dma_wait3A_14 = tpu.memref_slice %arg5[%scan3A_7, %dma_wait3A] : memref<20x128xi32, #tpu.memory_space<vmem>> -> memref<1x128xi32, #tpu.memory_space<vmem>>
      %dma_wait3A_15 = tpu.memref_squeeze %dma_wait3A_14 : memref<1x128xi32, #tpu.memory_space<vmem>> -> memref<128xi32, #tpu.memory_space<vmem>>
      %dma_wait3A_16 = arith.constant 0 : i32
      %dma_wait3A_17 = arith.constant 0 : i32
      %dma_wait3A_18 = tpu.memref_slice %arg2[%dma_wait3A_16, %dma_wait3A_17] : memref<204800x128xf32, #tpu.memory_space<hbm>> -> memref<204800x128xf32, #tpu.memory_space<hbm>>
      tpu.wait_indirect_dma semaphore(%arg7 : memref<!tpu.dma_semaphore, #tpu.memory_space<semaphore_mem>>) src(%dma_wait3A_18 : memref<204800x128xf32, #tpu.memory_space<hbm>>) dst(%arg6 : memref<128x128xf32, #tpu.memory_space<vmem>>)
      %mul3A_19 = arith.constant 20 : i32
      %mul3A_20 = arith.muli %add3A, %mul3A_19 : i32
      %add3A_21 = arith.addi %mul3A_20, %scan3A_7 : i32
      %mul3A_22 = arith.constant 128 : i32
      %mul3A_23 = arith.muli %add3A_21, %mul3A_22 : i32
      "tpu.region"() ({
        %run_scoped3A = tpu.sem_alloc : memref<!tpu.dma_semaphore, #tpu.memory_space<semaphore_mem>>
        %dma_start3A_25 = arith.constant 0 : i32
        %dma_start3A_26 = tpu.memref_slice %arg4[%mul3A_23, %dma_start3A_25] : memref<81920x128xf32, #tpu.memory_space<hbm>> -> memref<128x128xf32, #tpu.memory_space<hbm>>
        %dma_start3A_27 = arith.constant 0 : i32
        %dma_start3A_28 = tpu.memref_slice %arg4[%mul3A_23, %dma_start3A_27] : memref<81920x128xf32, #tpu.memory_space<hbm>> -> memref<128x128xf32, #tpu.memory_space<hbm>>
        tpu.enqueue_dma source(%arg6 : memref<128x128xf32, #tpu.memory_space<vmem>>) target(%dma_start3A_28 : memref<128x128xf32, #tpu.memory_space<hbm>>) target_semaphore(%run_scoped3A : memref<!tpu.dma_semaphore, #tpu.memory_space<semaphore_mem>>)
        %dma_wait3A_29 = arith.constant 0 : i32
        %dma_wait3A_30 = tpu.memref_slice %arg4[%mul3A_23, %dma_wait3A_29] : memref<81920x128xf32, #tpu.memory_space<hbm>> -> memref<128x128xf32, #tpu.memory_space<hbm>>
        %dma_wait3A_31 = arith.constant 0 : i32
        %dma_wait3A_32 = tpu.memref_slice %arg4[%mul3A_23, %dma_wait3A_31] : memref<81920x128xf32, #tpu.memory_space<hbm>> -> memref<128x128xf32, #tpu.memory_space<hbm>>
        tpu.wait_dma2 semaphore(%run_scoped3A : memref<!tpu.dma_semaphore, #tpu.memory_space<semaphore_mem>>) src(%arg6 : memref<128x128xf32, #tpu.memory_space<vmem>>) dst(%dma_wait3A_32 : memref<128x128xf32, #tpu.memory_space<hbm>>)
        tpu.yield
      }) : () -> ()
      %scan3A_24 = arith.constant 0 : i32
      scf.yield %scan3A_24 : i32
    }
    %scan3A_6 = arith.constant 20 : i32
    return
  }
}

module attributes {stable_mosaic.version = 14 : i64} {
  func.func @_knn_body(%arg0: i32, %arg1: i32, %arg2: memref<1x32x1024xf32, #tpu.memory_space<vmem>>, %arg3: memref<1x32x128xf32, #tpu.memory_space<vmem>>, %arg4: memref<1x128x50xi32, #tpu.memory_space<vmem>>) attributes {dimension_semantics = [#tpu.dimension_semantics<arbitrary>, #tpu.dimension_semantics<arbitrary>], iteration_bounds = array<i64: 4, 8>, scalar_prefetch = 0 : i64, scratch_operands = 0 : i64, tpu.core_type = #tpu.core_type<tc>, window_params = [{transform_indices = @transform_0, window_bounds = array<i64: 1, 32, 1024>}, {transform_indices = @transform_1, window_bounds = array<i64: 1, 32, 128>}, {transform_indices = @transform_2, window_bounds = array<i64: 1, 128, 50>}]} {
    %get3A = arith.constant 0 : index
    %get3A_0 = arith.constant 0 : index
    %get3A_1 = arith.constant 0 : index
    %get3A_2 = vector.load %arg2[%get3A, %get3A_0, %get3A_1] : memref<1x32x1024xf32, #tpu.memory_space<vmem>>, vector<1x32x1024xf32>
    %get3A_3 = vector.shape_cast %get3A_2 : vector<1x32x1024xf32> to vector<32x1024xf32>
    %get3A_4 = arith.constant 0 : index
    %get3A_5 = arith.constant 0 : index
    %get3A_6 = arith.constant 0 : index
    %get3A_7 = vector.load %arg3[%get3A_4, %get3A_5, %get3A_6] : memref<1x32x128xf32, #tpu.memory_space<vmem>>, vector<1x32x128xf32>
    %get3A_8 = vector.shape_cast %get3A_7 : vector<1x32x128xf32> to vector<32x128xf32>
    %mul3A = arith.mulf %get3A_3, %get3A_3 : vector<32x1024xf32>
    %reduce_sum3A = arith.constant dense<0.000000e+00> : vector<1024xf32>
    %reduce_sum3A_9 = vector.multi_reduction <add>, %mul3A, %reduce_sum3A [0] : vector<32x1024xf32> to vector<1024xf32>
    %broadcast_in_dim3A = vector.shape_cast %reduce_sum3A_9 : vector<1024xf32> to vector<1x1024xf32>
    %convert_element_type3A = arith.truncf %get3A_8 : vector<32x128xf32> to vector<32x128xbf16>
    %convert_element_type3A_10 = arith.truncf %get3A_3 : vector<32x1024xf32> to vector<32x1024xbf16>
    %dot_general3A = arith.constant dense<0.000000e+00> : vector<128x1024xf32>
    %dot_general3A_11 = tpu.matmul %convert_element_type3A, %convert_element_type3A_10, %dot_general3A {dimension_numbers = #tpu.dot_dimension_numbers<[0], [0], [1], [1], [0, 1, 1, 1], [], []>, transpose_lhs_hint = false} : vector<32x128xbf16>, vector<32x1024xbf16>, vector<128x1024xf32> -> vector<128x1024xf32>
    %mul3A_12 = arith.mulf %get3A_8, %get3A_8 : vector<32x128xf32>
    %reduce_sum3A_13 = arith.constant dense<0.000000e+00> : vector<128xf32>
    %reduce_sum3A_14 = vector.multi_reduction <add>, %mul3A_12, %reduce_sum3A_13 [0] : vector<32x128xf32> to vector<128xf32>
    %broadcast_in_dim3A_15 = vector.shape_cast %reduce_sum3A_14 : vector<128xf32> to vector<128x1xf32>
    %neg3A = arith.constant 0.000000e+00 : f32
    %neg3A_16 = vector.broadcast %neg3A : f32 to vector<1x1024xf32>
    %neg3A_17 = arith.subf %neg3A_16, %broadcast_in_dim3A : vector<1x1024xf32>
    %sub3A = vector.broadcast %neg3A_17 : vector<1x1024xf32> to vector<128x1024xf32>
    %sub3A_18 = vector.broadcast %broadcast_in_dim3A_15 : vector<128x1xf32> to vector<128x1024xf32>
    %sub3A_19 = arith.subf %sub3A, %sub3A_18 : vector<128x1024xf32>
    %mul3A_20 = arith.constant 2.000000e+00 : f32
    %mul3A_21 = vector.broadcast %mul3A_20 : f32 to vector<128x1024xf32>
    %mul3A_22 = arith.mulf %mul3A_21, %dot_general3A_11 : vector<128x1024xf32>
    %add3A = arith.addf %sub3A_19, %mul3A_22 : vector<128x1024xf32>
    %iota3A = tpu.iota {dimensions = array<i32: 1>} : vector<128x1024xi32>
    %iota3A_23 = tpu.iota {dimensions = array<i32: 1>} : vector<128x50xi32>
    %mul3A_24 = arith.constant 1024 : i32
    %mul3A_25 = arith.muli %arg0, %mul3A_24 : i32
    %broadcast_in_dim3A_26 = arith.constant 0 : i32
    %broadcast_in_dim3A_27 = vector.broadcast %broadcast_in_dim3A_26 : i32 to vector<128x50xi32>
    %scan3A = arith.constant 0 : i32
    %scan3A_28 = arith.constant 50 : i32
    %scan3A_29 = arith.addi %scan3A, %scan3A_28 : i32
    %scan3A_30 = arith.constant 1 : i32
    %scan3A_31:2 = scf.for %scan3A_38 = %scan3A to %scan3A_29 step %scan3A_30 iter_args(%scan3A_39 = %add3A, %scan3A_40 = %broadcast_in_dim3A_27) -> (vector<128x1024xf32>, vector<128x50xi32>)  : i32 {
      %reduce_max3A = arith.constant dense<0xFF800000> : vector<128xf32>
      %reduce_max3A_41 = vector.multi_reduction <maximumf>, %scan3A_39, %reduce_max3A [1] : vector<128x1024xf32> to vector<128xf32>
      %broadcast_in_dim3A_42 = vector.shape_cast %reduce_max3A_41 : vector<128xf32> to vector<128x1xf32>
      %eq3A = vector.broadcast %broadcast_in_dim3A_42 : vector<128x1xf32> to vector<128x1024xf32>
      %eq3A_43 = arith.cmpf oeq, %scan3A_39, %eq3A : vector<128x1024xf32>
      %jit3A = arith.constant 1024 : i32
      %broadcast_in_dim3A_44 = vector.broadcast %jit3A : i32 to vector<128x1024xi32>
      %select_n3A = arith.select %eq3A_43, %iota3A, %broadcast_in_dim3A_44 : vector<128x1024xi1>, vector<128x1024xi32>
      %reduce_min3A = arith.constant dense<2147483647> : vector<128xi32>
      %reduce_min3A_45 = vector.multi_reduction <minsi>, %select_n3A, %reduce_min3A [1] : vector<128x1024xi32> to vector<128xi32>
      %broadcast_in_dim3A_46 = vector.shape_cast %reduce_min3A_45 : vector<128xi32> to vector<128x1xi32>
      %eq3A_47 = vector.broadcast %scan3A_38 : i32 to vector<128x50xi32>
      %eq3A_48 = arith.cmpi eq, %iota3A_23, %eq3A_47 : vector<128x50xi32>
      %add3A_49 = vector.broadcast %mul3A_25 : i32 to vector<128x1xi32>
      %add3A_50 = arith.addi %broadcast_in_dim3A_46, %add3A_49 : vector<128x1xi32>
      %broadcast_in_dim3A_51 = vector.shape_cast %add3A_50 : vector<128x1xi32> to vector<128x1xi32>
      %broadcast_in_dim3A_52 = vector.broadcast %broadcast_in_dim3A_51 : vector<128x1xi32> to vector<128x50xi32>
      %select_n3A_53 = arith.select %eq3A_48, %broadcast_in_dim3A_52, %scan3A_40 : vector<128x50xi1>, vector<128x50xi32>
      %eq3A_54 = vector.broadcast %broadcast_in_dim3A_46 : vector<128x1xi32> to vector<128x1024xi32>
      %eq3A_55 = arith.cmpi eq, %iota3A, %eq3A_54 : vector<128x1024xi32>
      %jit3A_56 = arith.constant 0xFF800000 : f32
      %broadcast_in_dim3A_57 = vector.broadcast %jit3A_56 : f32 to vector<128x1024xf32>
      %select_n3A_58 = arith.select %eq3A_55, %broadcast_in_dim3A_57, %scan3A_39 : vector<128x1024xi1>, vector<128x1024xf32>
      scf.yield %select_n3A_58, %select_n3A_53 : vector<128x1024xf32>, vector<128x50xi32>
    }
    %scan3A_32 = arith.constant 50 : i32
    %swap3A = arith.constant 0 : index
    %swap3A_33 = arith.constant 0 : index
    %swap3A_34 = arith.constant 0 : index
    %swap3A_35 = vector.load %arg4[%swap3A, %swap3A_33, %swap3A_34] : memref<1x128x50xi32, #tpu.memory_space<vmem>>, vector<1x128x50xi32>
    %swap3A_36 = vector.shape_cast %swap3A_35 : vector<1x128x50xi32> to vector<128x50xi32>
    %swap3A_37 = vector.shape_cast %scan3A_31#1 : vector<128x50xi32> to vector<1x128x50xi32>
    tpu.vector_store %arg4[%swap3A, %swap3A_33, %swap3A_34], %swap3A_37 {strides = array<i32>} : memref<1x128x50xi32, #tpu.memory_space<vmem>>, vector<1x128x50xi32>,
    return
  }
  func.func @transform_0(%arg0: i32, %arg1: i32) -> (i32, i32, i32) {
    %c0_i32 = arith.constant 0 : i32
    %c0_i32_0 = arith.constant 0 : i32
    %c0_i32_1 = arith.constant 0 : i32
    return %arg0, %c0_i32, %c0_i32_0 : i32, i32, i32
  }
  func.func @transform_1(%arg0: i32, %arg1: i32) -> (i32, i32, i32) {
    %c0_i32 = arith.constant 0 : i32
    %c0_i32_0 = arith.constant 0 : i32
    return %arg0, %c0_i32, %arg1 : i32, i32, i32
  }
  func.func @transform_2(%arg0: i32, %arg1: i32) -> (i32, i32, i32) {
    %c0_i32 = arith.constant 0 : i32
    %c0_i32_0 = arith.constant 0 : i32
    return %arg0, %arg1, %c0_i32 : i32, i32, i32
  }
}

module attributes {stable_mosaic.version = 14 : i64} {
  func.func @_kv_body(%arg0: i32, %arg1: i32, %arg2: memref<1x320x1024xf32, #tpu.memory_space<vmem>>, %arg3: memref<1x32x1024xf32, #tpu.memory_space<vmem>>, %arg4: memref<1024x1024xf32, #tpu.memory_space<vmem>>, %arg5: memref<1x1024xf32, #tpu.memory_space<vmem>>, %arg6: memref<1024x1024xf32, #tpu.memory_space<vmem>>, %arg7: memref<1x1024xf32, #tpu.memory_space<vmem>>, %arg8: memref<1x320x1024xf32, #tpu.memory_space<vmem>>, %arg9: memref<1x320x1024xf32, #tpu.memory_space<vmem>>) attributes {dimension_semantics = [#tpu.dimension_semantics<arbitrary>, #tpu.dimension_semantics<arbitrary>], iteration_bounds = array<i64: 4, 5>, scalar_prefetch = 0 : i64, scratch_operands = 0 : i64, tpu.core_type = #tpu.core_type<tc>, window_params = [{transform_indices = @transform_0, window_bounds = array<i64: 1, 320, 1024>}, {transform_indices = @transform_1, window_bounds = array<i64: 1, 32, 1024>}, {pipeline_mode = #tpu.pipeline_mode<synchronous>, transform_indices = @transform_2, window_bounds = array<i64: 1024, 1024>}, {pipeline_mode = #tpu.pipeline_mode<synchronous>, transform_indices = @transform_3, window_bounds = array<i64: 1, 1024>}, {pipeline_mode = #tpu.pipeline_mode<synchronous>, transform_indices = @transform_4, window_bounds = array<i64: 1024, 1024>}, {pipeline_mode = #tpu.pipeline_mode<synchronous>, transform_indices = @transform_5, window_bounds = array<i64: 1, 1024>}, {transform_indices = @transform_6, window_bounds = array<i64: 1, 320, 1024>}, {transform_indices = @transform_7, window_bounds = array<i64: 1, 320, 1024>}]} {
    %get3A = arith.constant 0 : index
    %get3A_0 = arith.constant 0 : index
    %get3A_1 = arith.constant 0 : index
    %get3A_2 = vector.load %arg2[%get3A, %get3A_0, %get3A_1] : memref<1x320x1024xf32, #tpu.memory_space<vmem>>, vector<1x320x1024xf32>
    %get3A_3 = vector.shape_cast %get3A_2 : vector<1x320x1024xf32> to vector<320x1024xf32>
    %get3A_4 = arith.constant 0 : index
    %get3A_5 = arith.constant 0 : index
    %get3A_6 = arith.constant 0 : index
    %get3A_7 = vector.load %arg3[%get3A_4, %get3A_5, %get3A_6] : memref<1x32x1024xf32, #tpu.memory_space<vmem>>, vector<1x32x1024xf32>
    %get3A_8 = vector.shape_cast %get3A_7 : vector<1x32x1024xf32> to vector<32x1024xf32>
    %concatenate3A = tpu.concatenate %get3A_8, %get3A_8, %get3A_8, %get3A_8, %get3A_8, %get3A_8, %get3A_8, %get3A_8, %get3A_8, %get3A_8 in 0 : vector<32x1024xf32>, vector<32x1024xf32>, vector<32x1024xf32>, vector<32x1024xf32>, vector<32x1024xf32>, vector<32x1024xf32>, vector<32x1024xf32>, vector<32x1024xf32>, vector<32x1024xf32>, vector<32x1024xf32> -> vector<320x1024xf32>
    %sub3A = arith.subf %get3A_3, %concatenate3A : vector<320x1024xf32>
    %get3A_9 = arith.constant 0 : index
    %get3A_10 = arith.constant 0 : index
    %get3A_11 = vector.load %arg4[%get3A_9, %get3A_10] : memref<1024x1024xf32, #tpu.memory_space<vmem>>, vector<1024x1024xf32>
    %dot_general3A = arith.constant dense<0.000000e+00> : vector<320x1024xf32>
    %dot_general3A_12 = tpu.matmul %sub3A, %get3A_11, %dot_general3A {dimension_numbers = #tpu.dot_dimension_numbers<[1], [1], [0], [0], [0, 0, 1, 0], [], []>, transpose_lhs_hint = false} : vector<320x1024xf32>, vector<1024x1024xf32>, vector<320x1024xf32> -> vector<320x1024xf32>
    %get3A_13 = arith.constant 0 : index
    %get3A_14 = arith.constant 0 : index
    %get3A_15 = vector.load %arg5[%get3A_13, %get3A_14] : memref<1x1024xf32, #tpu.memory_space<vmem>>, vector<1x1024xf32>
    %add3A = vector.broadcast %get3A_15 : vector<1x1024xf32> to vector<320x1024xf32>
    %add3A_16 = arith.addf %dot_general3A_12, %add3A : vector<320x1024xf32>
    %swap3A = arith.constant 0 : index
    %swap3A_17 = arith.constant 0 : index
    %swap3A_18 = arith.constant 0 : index
    %swap3A_19 = vector.load %arg8[%swap3A, %swap3A_17, %swap3A_18] : memref<1x320x1024xf32, #tpu.memory_space<vmem>>, vector<1x320x1024xf32>
    %swap3A_20 = vector.shape_cast %swap3A_19 : vector<1x320x1024xf32> to vector<320x1024xf32>
    %swap3A_21 = vector.shape_cast %add3A_16 : vector<320x1024xf32> to vector<1x320x1024xf32>
    tpu.vector_store %arg8[%swap3A, %swap3A_17, %swap3A_18], %swap3A_21 {strides = array<i32>} : memref<1x320x1024xf32, #tpu.memory_space<vmem>>, vector<1x320x1024xf32>,
    %get3A_22 = arith.constant 0 : index
    %get3A_23 = arith.constant 0 : index
    %get3A_24 = vector.load %arg6[%get3A_22, %get3A_23] : memref<1024x1024xf32, #tpu.memory_space<vmem>>, vector<1024x1024xf32>
    %dot_general3A_25 = arith.constant dense<0.000000e+00> : vector<320x1024xf32>
    %dot_general3A_26 = tpu.matmul %sub3A, %get3A_24, %dot_general3A_25 {dimension_numbers = #tpu.dot_dimension_numbers<[1], [1], [0], [0], [0, 0, 1, 0], [], []>, transpose_lhs_hint = false} : vector<320x1024xf32>, vector<1024x1024xf32>, vector<320x1024xf32> -> vector<320x1024xf32>
    %get3A_27 = arith.constant 0 : index
    %get3A_28 = arith.constant 0 : index
    %get3A_29 = vector.load %arg7[%get3A_27, %get3A_28] : memref<1x1024xf32, #tpu.memory_space<vmem>>, vector<1x1024xf32>
    %add3A_30 = vector.broadcast %get3A_29 : vector<1x1024xf32> to vector<320x1024xf32>
    %add3A_31 = arith.addf %dot_general3A_26, %add3A_30 : vector<320x1024xf32>
    %swap3A_32 = arith.constant 0 : index
    %swap3A_33 = arith.constant 0 : index
    %swap3A_34 = arith.constant 0 : index
    %swap3A_35 = vector.load %arg9[%swap3A_32, %swap3A_33, %swap3A_34] : memref<1x320x1024xf32, #tpu.memory_space<vmem>>, vector<1x320x1024xf32>
    %swap3A_36 = vector.shape_cast %swap3A_35 : vector<1x320x1024xf32> to vector<320x1024xf32>
    %swap3A_37 = vector.shape_cast %add3A_31 : vector<320x1024xf32> to vector<1x320x1024xf32>
    tpu.vector_store %arg9[%swap3A_32, %swap3A_33, %swap3A_34], %swap3A_37 {strides = array<i32>} : memref<1x320x1024xf32, #tpu.memory_space<vmem>>, vector<1x320x1024xf32>,
    return
  }
  func.func @transform_0(%arg0: i32, %arg1: i32) -> (i32, i32, i32) {
    %c0_i32 = arith.constant 0 : i32
    %c0_i32_0 = arith.constant 0 : i32
    return %arg0, %arg1, %c0_i32 : i32, i32, i32
  }
  func.func @transform_1(%arg0: i32, %arg1: i32) -> (i32, i32, i32) {
    %c0_i32 = arith.constant 0 : i32
    %c0_i32_0 = arith.constant 0 : i32
    %c0_i32_1 = arith.constant 0 : i32
    return %arg0, %c0_i32, %c0_i32_0 : i32, i32, i32
  }
  func.func @transform_2(%arg0: i32, %arg1: i32) -> (i32, i32) {
    %c0_i32 = arith.constant 0 : i32
    %c0_i32_0 = arith.constant 0 : i32
    %c0_i32_1 = arith.constant 0 : i32
    return %c0_i32, %c0_i32_0 : i32, i32
  }
  func.func @transform_3(%arg0: i32, %arg1: i32) -> (i32, i32) {
    %c0_i32 = arith.constant 0 : i32
    %c0_i32_0 = arith.constant 0 : i32
    %c0_i32_1 = arith.constant 0 : i32
    return %c0_i32, %c0_i32_0 : i32, i32
  }
  func.func @transform_4(%arg0: i32, %arg1: i32) -> (i32, i32) {
    %c0_i32 = arith.constant 0 : i32
    %c0_i32_0 = arith.constant 0 : i32
    %c0_i32_1 = arith.constant 0 : i32
    return %c0_i32, %c0_i32_0 : i32, i32
  }
  func.func @transform_5(%arg0: i32, %arg1: i32) -> (i32, i32) {
    %c0_i32 = arith.constant 0 : i32
    %c0_i32_0 = arith.constant 0 : i32
    %c0_i32_1 = arith.constant 0 : i32
    return %c0_i32, %c0_i32_0 : i32, i32
  }
  func.func @transform_6(%arg0: i32, %arg1: i32) -> (i32, i32, i32) {
    %c0_i32 = arith.constant 0 : i32
    %c0_i32_0 = arith.constant 0 : i32
    return %arg0, %arg1, %c0_i32 : i32, i32, i32
  }
  func.func @transform_7(%arg0: i32, %arg1: i32) -> (i32, i32, i32) {
    %c0_i32 = arith.constant 0 : i32
    %c0_i32_0 = arith.constant 0 : i32
    return %arg0, %arg1, %c0_i32 : i32, i32, i32
  }
}

module attributes {stable_mosaic.version = 14 : i64} {
  func.func @_attn_body(%arg0: i32, %arg1: i32, %arg2: memref<1x320x1024xf32, #tpu.memory_space<vmem>>, %arg3: memref<1x32x1024xf32, #tpu.memory_space<vmem>>, %arg4: memref<1x1600x1024xf32, #tpu.memory_space<vmem>>, %arg5: memref<1x1600x1024xf32, #tpu.memory_space<vmem>>, %arg6: memref<1024x1024xf32, #tpu.memory_space<vmem>>, %arg7: memref<1x1024xf32, #tpu.memory_space<vmem>>, %arg8: memref<1024x1024xf32, #tpu.memory_space<vmem>>, %arg9: memref<1x1024xf32, #tpu.memory_space<vmem>>, %arg10: memref<1x1024xf32, #tpu.memory_space<vmem>>, %arg11: memref<1x1024xf32, #tpu.memory_space<vmem>>, %arg12: memref<1x1024xf32, #tpu.memory_space<vmem>>, %arg13: memref<1x1024xf32, #tpu.memory_space<vmem>>, %arg14: memref<1x32xf32, #tpu.memory_space<vmem>>, %arg15: memref<1x1xf32, #tpu.memory_space<vmem>>, %arg16: memref<1x1x10x1024xf32, #tpu.memory_space<vmem>>) attributes {dimension_semantics = [#tpu.dimension_semantics<arbitrary>, #tpu.dimension_semantics<arbitrary>], iteration_bounds = array<i64: 4, 5>, scalar_prefetch = 0 : i64, scratch_operands = 0 : i64, tpu.core_type = #tpu.core_type<tc>, window_params = [{transform_indices = @transform_0, window_bounds = array<i64: 1, 320, 1024>}, {transform_indices = @transform_1, window_bounds = array<i64: 1, 32, 1024>}, {transform_indices = @transform_2, window_bounds = array<i64: 1, 1600, 1024>}, {transform_indices = @transform_3, window_bounds = array<i64: 1, 1600, 1024>}, {pipeline_mode = #tpu.pipeline_mode<synchronous>, transform_indices = @transform_4, window_bounds = array<i64: 1024, 1024>}, {pipeline_mode = #tpu.pipeline_mode<synchronous>, transform_indices = @transform_5, window_bounds = array<i64: 1, 1024>}, {pipeline_mode = #tpu.pipeline_mode<synchronous>, transform_indices = @transform_6, window_bounds = array<i64: 1024, 1024>}, {pipeline_mode = #tpu.pipeline_mode<synchronous>, transform_indices = @transform_7, window_bounds = array<i64: 1, 1024>}, {pipeline_mode = #tpu.pipeline_mode<synchronous>, transform_indices = @transform_8, window_bounds = array<i64: 1, 1024>}, {pipeline_mode = #tpu.pipeline_mode<synchronous>, transform_indices = @transform_9, window_bounds = array<i64: 1, 1024>}, {pipeline_mode = #tpu.pipeline_mode<synchronous>, transform_indices = @transform_10, window_bounds = array<i64: 1, 1024>}, {pipeline_mode = #tpu.pipeline_mode<synchronous>, transform_indices = @transform_11, window_bounds = array<i64: 1, 1024>}, {pipeline_mode = #tpu.pipeline_mode<synchronous>, transform_indices = @transform_12, window_bounds = array<i64: 1, 32>}, {pipeline_mode = #tpu.pipeline_mode<synchronous>, transform_indices = @transform_13, window_bounds = array<i64: 1, 1>}, {transform_indices = @transform_14, window_bounds = array<i64: 1, 1, 10, 1024>}]} {
    %get3A = arith.constant 0 : index
    %get3A_0 = arith.constant 0 : index
    %get3A_1 = arith.constant 0 : index
    %get3A_2 = vector.load %arg2[%get3A, %get3A_0, %get3A_1] : memref<1x320x1024xf32, #tpu.memory_space<vmem>>, vector<1x320x1024xf32>
    %get3A_3 = vector.shape_cast %get3A_2 : vector<1x320x1024xf32> to vector<320x1024xf32>
    %get3A_4 = arith.constant 0 : index
    %get3A_5 = arith.constant 0 : index
    %get3A_6 = arith.constant 0 : index
    %get3A_7 = vector.load %arg3[%get3A_4, %get3A_5, %get3A_6] : memref<1x32x1024xf32, #tpu.memory_space<vmem>>, vector<1x32x1024xf32>
    %get3A_8 = vector.shape_cast %get3A_7 : vector<1x32x1024xf32> to vector<32x1024xf32>
    %concatenate3A = tpu.concatenate %get3A_8, %get3A_8, %get3A_8, %get3A_8, %get3A_8, %get3A_8, %get3A_8, %get3A_8, %get3A_8, %get3A_8 in 0 : vector<32x1024xf32>, vector<32x1024xf32>, vector<32x1024xf32>, vector<32x1024xf32>, vector<32x1024xf32>, vector<32x1024xf32>, vector<32x1024xf32>, vector<32x1024xf32>, vector<32x1024xf32>, vector<32x1024xf32> -> vector<320x1024xf32>
    %sub3A = arith.subf %get3A_3, %concatenate3A : vector<320x1024xf32>
    %get3A_9 = arith.constant 0 : index
    %get3A_10 = arith.constant 0 : index
    %get3A_11 = vector.load %arg6[%get3A_9, %get3A_10] : memref<1024x1024xf32, #tpu.memory_space<vmem>>, vector<1024x1024xf32>
    %dot_general3A = arith.constant dense<0.000000e+00> : vector<320x1024xf32>
    %dot_general3A_12 = tpu.matmul %sub3A, %get3A_11, %dot_general3A {dimension_numbers = #tpu.dot_dimension_numbers<[1], [1], [0], [0], [0, 0, 1, 0], [], []>, transpose_lhs_hint = false} : vector<320x1024xf32>, vector<1024x1024xf32>, vector<320x1024xf32> -> vector<320x1024xf32>
    %get3A_13 = arith.constant 0 : index
    %get3A_14 = arith.constant 0 : index
    %get3A_15 = vector.load %arg7[%get3A_13, %get3A_14] : memref<1x1024xf32, #tpu.memory_space<vmem>>, vector<1x1024xf32>
    %add3A = vector.broadcast %get3A_15 : vector<1x1024xf32> to vector<320x1024xf32>
    %add3A_16 = arith.addf %dot_general3A_12, %add3A : vector<320x1024xf32>
    %get3A_17 = arith.constant 0 : index
    %get3A_18 = arith.constant 0 : index
    %get3A_19 = arith.constant 0 : index
    %get3A_20 = vector.load %arg4[%get3A_17, %get3A_18, %get3A_19] : memref<1x1600x1024xf32, #tpu.memory_space<vmem>>, vector<1x1600x1024xf32>
    %get3A_21 = vector.shape_cast %get3A_20 : vector<1x1600x1024xf32> to vector<1600x1024xf32>
    %dot_general3A_22 = arith.constant dense<0.000000e+00> : vector<320x1600xf32>
    %dot_general3A_23 = tpu.matmul %add3A_16, %get3A_21, %dot_general3A_22 {dimension_numbers = #tpu.dot_dimension_numbers<[1], [1], [0], [0], [0, 0, 1, 0], [], []>, transpose_lhs_hint = false} : vector<320x1024xf32>, vector<1600x1024xf32>, vector<320x1600xf32> -> vector<320x1600xf32>
    %mul3A = arith.constant 3.125000e-02 : f32
    %mul3A_24 = vector.broadcast %mul3A : f32 to vector<320x1600xf32>
    %mul3A_25 = arith.mulf %dot_general3A_23, %mul3A_24 : vector<320x1600xf32>
    %reduce_max3A = arith.constant dense<0xFF800000> : vector<320xf32>
    %reduce_max3A_26 = vector.multi_reduction <maximumf>, %mul3A_25, %reduce_max3A [1] : vector<320x1600xf32> to vector<320xf32>
    %broadcast_in_dim3A = vector.shape_cast %reduce_max3A_26 : vector<320xf32> to vector<320x1xf32>
    %sub3A_27 = vector.broadcast %broadcast_in_dim3A : vector<320x1xf32> to vector<320x1600xf32>
    %sub3A_28 = arith.subf %mul3A_25, %sub3A_27 : vector<320x1600xf32>
    %exp3A = math.exp %sub3A_28 : vector<320x1600xf32>
    %reduce_sum3A = arith.constant dense<0.000000e+00> : vector<320xf32>
    %reduce_sum3A_29 = vector.multi_reduction <add>, %exp3A, %reduce_sum3A [1] : vector<320x1600xf32> to vector<320xf32>
    %broadcast_in_dim3A_30 = vector.shape_cast %reduce_sum3A_29 : vector<320xf32> to vector<320x1xf32>
    %div3A = vector.broadcast %broadcast_in_dim3A_30 : vector<320x1xf32> to vector<320x1600xf32>
    %div3A_31 = arith.divf %exp3A, %div3A : vector<320x1600xf32>
    %get3A_32 = arith.constant 0 : index
    %get3A_33 = arith.constant 0 : index
    %get3A_34 = arith.constant 0 : index
    %get3A_35 = vector.load %arg5[%get3A_32, %get3A_33, %get3A_34] : memref<1x1600x1024xf32, #tpu.memory_space<vmem>>, vector<1x1600x1024xf32>
    %get3A_36 = vector.shape_cast %get3A_35 : vector<1x1600x1024xf32> to vector<1600x1024xf32>
    %dot_general3A_37 = arith.constant dense<0.000000e+00> : vector<320x1024xf32>
    %dot_general3A_38 = tpu.matmul %div3A_31, %get3A_36, %dot_general3A_37 {dimension_numbers = #tpu.dot_dimension_numbers<[1], [0], [0], [1], [0, 0, 1, 1], [], []>, transpose_lhs_hint = false} : vector<320x1600xf32>, vector<1600x1024xf32>, vector<320x1024xf32> -> vector<320x1024xf32>
    %add3A_39 = arith.addf %dot_general3A_38, %sub3A : vector<320x1024xf32>
    %get3A_40 = arith.constant 0 : index
    %get3A_41 = arith.constant 0 : index
    %get3A_42 = vector.load %arg10[%get3A_40, %get3A_41] : memref<1x1024xf32, #tpu.memory_space<vmem>>, vector<1x1024xf32>
    %get3A_43 = arith.constant 0 : index
    %get3A_44 = arith.constant 0 : index
    %get3A_45 = vector.load %arg11[%get3A_43, %get3A_44] : memref<1x1024xf32, #tpu.memory_space<vmem>>, vector<1x1024xf32>
    %reduce_sum3A_46 = arith.constant dense<0.000000e+00> : vector<320xf32>
    %reduce_sum3A_47 = vector.multi_reduction <add>, %add3A_39, %reduce_sum3A_46 [1] : vector<320x1024xf32> to vector<320xf32>
    %broadcast_in_dim3A_48 = vector.shape_cast %reduce_sum3A_47 : vector<320xf32> to vector<320x1xf32>
    %div3A_49 = arith.constant 1.024000e+03 : f32
    %div3A_50 = vector.broadcast %div3A_49 : f32 to vector<320x1xf32>
    %div3A_51 = arith.divf %broadcast_in_dim3A_48, %div3A_50 : vector<320x1xf32>
    %sub3A_52 = vector.broadcast %div3A_51 : vector<320x1xf32> to vector<320x1024xf32>
    %sub3A_53 = arith.subf %add3A_39, %sub3A_52 : vector<320x1024xf32>
    %integer_pow3A = arith.mulf %sub3A_53, %sub3A_53 : vector<320x1024xf32>
    %reduce_sum3A_54 = arith.constant dense<0.000000e+00> : vector<320xf32>
    %reduce_sum3A_55 = vector.multi_reduction <add>, %integer_pow3A, %reduce_sum3A_54 [1] : vector<320x1024xf32> to vector<320xf32>
    %broadcast_in_dim3A_56 = vector.shape_cast %reduce_sum3A_55 : vector<320xf32> to vector<320x1xf32>
    %div3A_57 = arith.constant 1.024000e+03 : f32
    %div3A_58 = vector.broadcast %div3A_57 : f32 to vector<320x1xf32>
    %div3A_59 = arith.divf %broadcast_in_dim3A_56, %div3A_58 : vector<320x1xf32>
    %sub3A_60 = vector.broadcast %div3A_51 : vector<320x1xf32> to vector<320x1024xf32>
    %sub3A_61 = arith.subf %add3A_39, %sub3A_60 : vector<320x1024xf32>
    %add3A_62 = arith.constant 9.99999974E-6 : f32
    %add3A_63 = vector.broadcast %add3A_62 : f32 to vector<320x1xf32>
    %add3A_64 = arith.addf %div3A_59, %add3A_63 : vector<320x1xf32>
    %sqrt3A = math.sqrt %add3A_64 : vector<320x1xf32>
    %div3A_65 = vector.broadcast %sqrt3A : vector<320x1xf32> to vector<320x1024xf32>
    %div3A_66 = arith.divf %sub3A_61, %div3A_65 : vector<320x1024xf32>
    %mul3A_67 = vector.broadcast %get3A_42 : vector<1x1024xf32> to vector<320x1024xf32>
    %mul3A_68 = arith.mulf %div3A_66, %mul3A_67 : vector<320x1024xf32>
    %add3A_69 = vector.broadcast %get3A_45 : vector<1x1024xf32> to vector<320x1024xf32>
    %add3A_70 = arith.addf %mul3A_68, %add3A_69 : vector<320x1024xf32>
    %get3A_71 = arith.constant 0 : index
    %get3A_72 = arith.constant 0 : index
    %get3A_73 = vector.load %arg8[%get3A_71, %get3A_72] : memref<1024x1024xf32, #tpu.memory_space<vmem>>, vector<1024x1024xf32>
    %dot_general3A_74 = arith.constant dense<0.000000e+00> : vector<320x1024xf32>
    %dot_general3A_75 = tpu.matmul %add3A_70, %get3A_73, %dot_general3A_74 {dimension_numbers = #tpu.dot_dimension_numbers<[1], [1], [0], [0], [0, 0, 1, 0], [], []>, transpose_lhs_hint = false} : vector<320x1024xf32>, vector<1024x1024xf32>, vector<320x1024xf32> -> vector<320x1024xf32>
    %get3A_76 = arith.constant 0 : index
    %get3A_77 = arith.constant 0 : index
    %get3A_78 = vector.load %arg9[%get3A_76, %get3A_77] : memref<1x1024xf32, #tpu.memory_space<vmem>>, vector<1x1024xf32>
    %add3A_79 = vector.broadcast %get3A_78 : vector<1x1024xf32> to vector<320x1024xf32>
    %add3A_80 = arith.addf %dot_general3A_75, %add3A_79 : vector<320x1024xf32>
    %add3A_81 = arith.addf %add3A_80, %add3A_70 : vector<320x1024xf32>
    %get3A_82 = arith.constant 0 : index
    %get3A_83 = arith.constant 0 : index
    %get3A_84 = vector.load %arg12[%get3A_82, %get3A_83] : memref<1x1024xf32, #tpu.memory_space<vmem>>, vector<1x1024xf32>
    %get3A_85 = arith.constant 0 : index
    %get3A_86 = arith.constant 0 : index
    %get3A_87 = vector.load %arg13[%get3A_85, %get3A_86] : memref<1x1024xf32, #tpu.memory_space<vmem>>, vector<1x1024xf32>
    %reduce_sum3A_88 = arith.constant dense<0.000000e+00> : vector<320xf32>
    %reduce_sum3A_89 = vector.multi_reduction <add>, %add3A_81, %reduce_sum3A_88 [1] : vector<320x1024xf32> to vector<320xf32>
    %broadcast_in_dim3A_90 = vector.shape_cast %reduce_sum3A_89 : vector<320xf32> to vector<320x1xf32>
    %div3A_91 = arith.constant 1.024000e+03 : f32
    %div3A_92 = vector.broadcast %div3A_91 : f32 to vector<320x1xf32>
    %div3A_93 = arith.divf %broadcast_in_dim3A_90, %div3A_92 : vector<320x1xf32>
    %sub3A_94 = vector.broadcast %div3A_93 : vector<320x1xf32> to vector<320x1024xf32>
    %sub3A_95 = arith.subf %add3A_81, %sub3A_94 : vector<320x1024xf32>
    %integer_pow3A_96 = arith.mulf %sub3A_95, %sub3A_95 : vector<320x1024xf32>
    %reduce_sum3A_97 = arith.constant dense<0.000000e+00> : vector<320xf32>
    %reduce_sum3A_98 = vector.multi_reduction <add>, %integer_pow3A_96, %reduce_sum3A_97 [1] : vector<320x1024xf32> to vector<320xf32>
    %broadcast_in_dim3A_99 = vector.shape_cast %reduce_sum3A_98 : vector<320xf32> to vector<320x1xf32>
    %div3A_100 = arith.constant 1.024000e+03 : f32
    %div3A_101 = vector.broadcast %div3A_100 : f32 to vector<320x1xf32>
    %div3A_102 = arith.divf %broadcast_in_dim3A_99, %div3A_101 : vector<320x1xf32>
    %sub3A_103 = vector.broadcast %div3A_93 : vector<320x1xf32> to vector<320x1024xf32>
    %sub3A_104 = arith.subf %add3A_81, %sub3A_103 : vector<320x1024xf32>
    %add3A_105 = arith.constant 9.99999974E-6 : f32
    %add3A_106 = vector.broadcast %add3A_105 : f32 to vector<320x1xf32>
    %add3A_107 = arith.addf %div3A_102, %add3A_106 : vector<320x1xf32>
    %sqrt3A_108 = math.sqrt %add3A_107 : vector<320x1xf32>
    %div3A_109 = vector.broadcast %sqrt3A_108 : vector<320x1xf32> to vector<320x1024xf32>
    %div3A_110 = arith.divf %sub3A_104, %div3A_109 : vector<320x1024xf32>
    %mul3A_111 = vector.broadcast %get3A_84 : vector<1x1024xf32> to vector<320x1024xf32>
    %mul3A_112 = arith.mulf %div3A_110, %mul3A_111 : vector<320x1024xf32>
    %add3A_113 = vector.broadcast %get3A_87 : vector<1x1024xf32> to vector<320x1024xf32>
    %add3A_114 = arith.addf %mul3A_112, %add3A_113 : vector<320x1024xf32>
    %add3A_115 = arith.addf %add3A_114, %sub3A : vector<320x1024xf32>
    %get3A_116 = arith.constant 0 : index
    %get3A_117 = arith.constant 0 : index
    %get3A_118 = vector.load %arg14[%get3A_116, %get3A_117] : memref<1x32xf32, #tpu.memory_space<vmem>>, vector<1x32xf32>
    %concatenate3A_119 = tpu.concatenate %get3A_118, %get3A_118, %get3A_118, %get3A_118, %get3A_118, %get3A_118, %get3A_118, %get3A_118, %get3A_118, %get3A_118 in 1 : vector<1x32xf32>, vector<1x32xf32>, vector<1x32xf32>, vector<1x32xf32>, vector<1x32xf32>, vector<1x32xf32>, vector<1x32xf32>, vector<1x32xf32>, vector<1x32xf32>, vector<1x32xf32> -> vector<1x320xf32>
    %iota3A = tpu.iota {dimensions = array<i32: 0>} : vector<10x320xi32>
    %iota3A_120 = tpu.iota {dimensions = array<i32: 1>} : vector<10x320xi32>
    %jit3A = arith.constant 32 : i32
    %div3A_121 = vector.broadcast %jit3A : i32 to vector<10x320xi32>
    %div3A_122 = arith.divsi %iota3A_120, %div3A_121 : vector<10x320xi32>
    %sign3A = arith.constant 0 : i32
    %sign3A_123 = vector.broadcast %sign3A : i32 to vector<10x320xi32>
    %sign3A_124 = arith.cmpi sgt, %iota3A_120, %sign3A_123 : vector<10x320xi32>
    %sign3A_125 = arith.extui %sign3A_124 : vector<10x320xi1> to vector<10x320xi32>
    %sign3A_126 = arith.constant 0 : i32
    %sign3A_127 = vector.broadcast %sign3A_126 : i32 to vector<10x320xi32>
    %sign3A_128 = arith.cmpi slt, %iota3A_120, %sign3A_127 : vector<10x320xi32>
    %sign3A_129 = arith.extui %sign3A_128 : vector<10x320xi1> to vector<10x320xi32>
    %sign3A_130 = arith.subi %sign3A_125, %sign3A_129 : vector<10x320xi32>
    %sign3A_131 = arith.constant 0 : i32
    %sign3A_132 = arith.cmpi sgt, %jit3A, %sign3A_131 : i32
    %sign3A_133 = arith.extui %sign3A_132 : i1 to i32
    %sign3A_134 = arith.constant 0 : i32
    %sign3A_135 = arith.cmpi slt, %jit3A, %sign3A_134 : i32
    %sign3A_136 = arith.extui %sign3A_135 : i1 to i32
    %sign3A_137 = arith.subi %sign3A_133, %sign3A_136 : i32
    %ne3A = vector.broadcast %sign3A_137 : i32 to vector<10x320xi32>
    %ne3A_138 = arith.cmpi ne, %sign3A_130, %ne3A : vector<10x320xi32>
    %rem3A = vector.broadcast %jit3A : i32 to vector<10x320xi32>
    %rem3A_139 = arith.remsi %iota3A_120, %rem3A : vector<10x320xi32>
    %ne3A_140 = arith.constant 0 : i32
    %ne3A_141 = vector.broadcast %ne3A_140 : i32 to vector<10x320xi32>
    %ne3A_142 = arith.cmpi ne, %rem3A_139, %ne3A_141 : vector<10x320xi32>
    %and3A = arith.andi %ne3A_138, %ne3A_142 : vector<10x320xi1>
    %sub3A_143 = arith.constant 1 : i32
    %sub3A_144 = vector.broadcast %sub3A_143 : i32 to vector<10x320xi32>
    %sub3A_145 = arith.subi %div3A_122, %sub3A_144 : vector<10x320xi32>
    %select_n3A = arith.select %and3A, %sub3A_145, %div3A_122 : vector<10x320xi1>, vector<10x320xi32>
    %eq3A = arith.cmpi eq, %select_n3A, %iota3A : vector<10x320xi32>
    %broadcast_in_dim3A_146 = vector.shape_cast %concatenate3A_119 : vector<1x320xf32> to vector<1x320xf32>
    %broadcast_in_dim3A_147 = vector.broadcast %broadcast_in_dim3A_146 : vector<1x320xf32> to vector<10x320xf32>
    %jit3A_148 = arith.constant 0.000000e+00 : f32
    %broadcast_in_dim3A_149 = vector.broadcast %jit3A_148 : f32 to vector<10x320xf32>
    %select_n3A_150 = arith.select %eq3A, %broadcast_in_dim3A_147, %broadcast_in_dim3A_149 : vector<10x320xi1>, vector<10x320xf32>
    %dot_general3A_151 = arith.constant dense<0.000000e+00> : vector<10x1024xf32>
    %dot_general3A_152 = tpu.matmul %select_n3A_150, %add3A_115, %dot_general3A_151 {dimension_numbers = #tpu.dot_dimension_numbers<[1], [0], [0], [1], [0, 0, 1, 1], [], []>, transpose_lhs_hint = false} : vector<10x320xf32>, vector<320x1024xf32>, vector<10x1024xf32> -> vector<10x1024xf32>
    %get3A_153 = arith.constant 0 : index
    %get3A_154 = arith.constant 0 : index
    %get3A_155 = vector.load %arg15[%get3A_153, %get3A_154] : memref<1x1xf32, #tpu.memory_space<vmem>>, vector<1x1xf32>
    %get3A_156 = vector.extract %get3A_155[0, 0] : f32 from vector<1x1xf32>
    %add3A_157 = vector.broadcast %get3A_156 : f32 to vector<10x1024xf32>
    %add3A_158 = arith.addf %dot_general3A_152, %add3A_157 : vector<10x1024xf32>
    %swap3A = arith.constant 0 : index
    %swap3A_159 = arith.constant 0 : index
    %swap3A_160 = arith.constant 0 : index
    %swap3A_161 = arith.constant 0 : index
    %swap3A_162 = vector.load %arg16[%swap3A, %swap3A_159, %swap3A_160, %swap3A_161] : memref<1x1x10x1024xf32, #tpu.memory_space<vmem>>, vector<1x1x10x1024xf32>
    %swap3A_163 = vector.shape_cast %swap3A_162 : vector<1x1x10x1024xf32> to vector<10x1024xf32>
    %swap3A_164 = vector.shape_cast %add3A_158 : vector<10x1024xf32> to vector<1x1x10x1024xf32>
    tpu.vector_store %arg16[%swap3A, %swap3A_159, %swap3A_160, %swap3A_161], %swap3A_164 {strides = array<i32>} : memref<1x1x10x1024xf32, #tpu.memory_space<vmem>>, vector<1x1x10x1024xf32>,
    return
  }
  func.func @transform_0(%arg0: i32, %arg1: i32) -> (i32, i32, i32) {
    %c0_i32 = arith.constant 0 : i32
    %c0_i32_0 = arith.constant 0 : i32
    return %arg0, %arg1, %c0_i32 : i32, i32, i32
  }
  func.func @transform_1(%arg0: i32, %arg1: i32) -> (i32, i32, i32) {
    %c0_i32 = arith.constant 0 : i32
    %c0_i32_0 = arith.constant 0 : i32
    %c0_i32_1 = arith.constant 0 : i32
    return %arg0, %c0_i32, %c0_i32_0 : i32, i32, i32
  }
  func.func @transform_2(%arg0: i32, %arg1: i32) -> (i32, i32, i32) {
    %c0_i32 = arith.constant 0 : i32
    %c0_i32_0 = arith.constant 0 : i32
    %c0_i32_1 = arith.constant 0 : i32
    return %arg0, %c0_i32, %c0_i32_0 : i32, i32, i32
  }
  func.func @transform_3(%arg0: i32, %arg1: i32) -> (i32, i32, i32) {
    %c0_i32 = arith.constant 0 : i32
    %c0_i32_0 = arith.constant 0 : i32
    %c0_i32_1 = arith.constant 0 : i32
    return %arg0, %c0_i32, %c0_i32_0 : i32, i32, i32
  }
  func.func @transform_4(%arg0: i32, %arg1: i32) -> (i32, i32) {
    %c0_i32 = arith.constant 0 : i32
    %c0_i32_0 = arith.constant 0 : i32
    %c0_i32_1 = arith.constant 0 : i32
    return %c0_i32, %c0_i32_0 : i32, i32
  }
  func.func @transform_5(%arg0: i32, %arg1: i32) -> (i32, i32) {
    %c0_i32 = arith.constant 0 : i32
    %c0_i32_0 = arith.constant 0 : i32
    %c0_i32_1 = arith.constant 0 : i32
    return %c0_i32, %c0_i32_0 : i32, i32
  }
  func.func @transform_6(%arg0: i32, %arg1: i32) -> (i32, i32) {
    %c0_i32 = arith.constant 0 : i32
    %c0_i32_0 = arith.constant 0 : i32
    %c0_i32_1 = arith.constant 0 : i32
    return %c0_i32, %c0_i32_0 : i32, i32
  }
  func.func @transform_7(%arg0: i32, %arg1: i32) -> (i32, i32) {
    %c0_i32 = arith.constant 0 : i32
    %c0_i32_0 = arith.constant 0 : i32
    %c0_i32_1 = arith.constant 0 : i32
    return %c0_i32, %c0_i32_0 : i32, i32
  }
  func.func @transform_8(%arg0: i32, %arg1: i32) -> (i32, i32) {
    %c0_i32 = arith.constant 0 : i32
    %c0_i32_0 = arith.constant 0 : i32
    %c0_i32_1 = arith.constant 0 : i32
    return %c0_i32, %c0_i32_0 : i32, i32
  }
  func.func @transform_9(%arg0: i32, %arg1: i32) -> (i32, i32) {
    %c0_i32 = arith.constant 0 : i32
    %c0_i32_0 = arith.constant 0 : i32
    %c0_i32_1 = arith.constant 0 : i32
    return %c0_i32, %c0_i32_0 : i32, i32
  }
  func.func @transform_10(%arg0: i32, %arg1: i32) -> (i32, i32) {
    %c0_i32 = arith.constant 0 : i32
    %c0_i32_0 = arith.constant 0 : i32
    %c0_i32_1 = arith.constant 0 : i32
    return %c0_i32, %c0_i32_0 : i32, i32
  }
  func.func @transform_11(%arg0: i32, %arg1: i32) -> (i32, i32) {
    %c0_i32 = arith.constant 0 : i32
    %c0_i32_0 = arith.constant 0 : i32
    %c0_i32_1 = arith.constant 0 : i32
    return %c0_i32, %c0_i32_0 : i32, i32
  }
  func.func @transform_12(%arg0: i32, %arg1: i32) -> (i32, i32) {
    %c0_i32 = arith.constant 0 : i32
    %c0_i32_0 = arith.constant 0 : i32
    %c0_i32_1 = arith.constant 0 : i32
    return %c0_i32, %c0_i32_0 : i32, i32
  }
  func.func @transform_13(%arg0: i32, %arg1: i32) -> (i32, i32) {
    %c0_i32 = arith.constant 0 : i32
    %c0_i32_0 = arith.constant 0 : i32
    %c0_i32_1 = arith.constant 0 : i32
    return %c0_i32, %c0_i32_0 : i32, i32
  }
  func.func @transform_14(%arg0: i32, %arg1: i32) -> (i32, i32, i32, i32) {
    %c0_i32 = arith.constant 0 : i32
    %c0_i32_0 = arith.constant 0 : i32
    %c0_i32_1 = arith.constant 0 : i32
    return %arg0, %arg1, %c0_i32, %c0_i32_0 : i32, i32, i32, i32
  }
}

module attributes {stable_mosaic.version = 14 : i64} {
  func.func @_argmin_body(%arg0: i32, %arg1: i32, %arg2: memref<1x256x50xf32, #tpu.memory_space<vmem>>, %arg3: memref<1x256x20xi32, #tpu.memory_space<vmem>>) attributes {dimension_semantics = [#tpu.dimension_semantics<arbitrary>, #tpu.dimension_semantics<arbitrary>], iteration_bounds = array<i64: 4, 4>, scalar_prefetch = 0 : i64, scratch_operands = 0 : i64, tpu.core_type = #tpu.core_type<tc>, window_params = [{transform_indices = @transform_0, window_bounds = array<i64: 1, 256, 50>}, {transform_indices = @transform_1, window_bounds = array<i64: 1, 256, 20>}]} {
    %get3A = arith.constant 0 : index
    %get3A_0 = arith.constant 0 : index
    %get3A_1 = arith.constant 0 : index
    %get3A_2 = vector.load %arg2[%get3A, %get3A_0, %get3A_1] : memref<1x256x50xf32, #tpu.memory_space<vmem>>, vector<1x256x50xf32>
    %get3A_3 = vector.shape_cast %get3A_2 : vector<1x256x50xf32> to vector<256x50xf32>
    %iota3A = tpu.iota {dimensions = array<i32: 1>} : vector<256x50xi32>
    %iota3A_4 = tpu.iota {dimensions = array<i32: 1>} : vector<256x20xi32>
    %iota3A_5 = tpu.iota {dimensions = array<i32: 0>} : vector<256x1xi32>
    %mul3A = arith.constant 1024 : i32
    %mul3A_6 = arith.muli %arg0, %mul3A : i32
    %mul3A_7 = arith.constant 256 : i32
    %mul3A_8 = arith.muli %arg1, %mul3A_7 : i32
    %add3A = arith.addi %mul3A_6, %mul3A_8 : i32
    %add3A_9 = vector.broadcast %add3A : i32 to vector<256x1xi32>
    %add3A_10 = arith.addi %add3A_9, %iota3A_5 : vector<256x1xi32>
    %mul3A_11 = arith.constant 50 : i32
    %mul3A_12 = vector.broadcast %mul3A_11 : i32 to vector<256x1xi32>
    %mul3A_13 = arith.muli %add3A_10, %mul3A_12 : vector<256x1xi32>
    %broadcast_in_dim3A = arith.constant 0 : i32
    %broadcast_in_dim3A_14 = vector.broadcast %broadcast_in_dim3A : i32 to vector<256x20xi32>
    %scan3A = arith.constant 0 : i32
    %scan3A_15 = arith.constant 20 : i32
    %scan3A_16 = arith.addi %scan3A, %scan3A_15 : i32
    %scan3A_17 = arith.constant 1 : i32
    %scan3A_18:2 = scf.for %scan3A_25 = %scan3A to %scan3A_16 step %scan3A_17 iter_args(%scan3A_26 = %get3A_3, %scan3A_27 = %broadcast_in_dim3A_14) -> (vector<256x50xf32>, vector<256x20xi32>)  : i32 {
      %reduce_min3A = arith.constant dense<0x7F800000> : vector<256xf32>
      %reduce_min3A_28 = vector.multi_reduction <minimumf>, %scan3A_26, %reduce_min3A [1] : vector<256x50xf32> to vector<256xf32>
      %broadcast_in_dim3A_29 = vector.shape_cast %reduce_min3A_28 : vector<256xf32> to vector<256x1xf32>
      %eq3A = vector.broadcast %broadcast_in_dim3A_29 : vector<256x1xf32> to vector<256x50xf32>
      %eq3A_30 = arith.cmpf oeq, %scan3A_26, %eq3A : vector<256x50xf32>
      %jit3A = arith.constant 50 : i32
      %broadcast_in_dim3A_31 = vector.broadcast %jit3A : i32 to vector<256x50xi32>
      %select_n3A = arith.select %eq3A_30, %iota3A, %broadcast_in_dim3A_31 : vector<256x50xi1>, vector<256x50xi32>
      %reduce_min3A_32 = arith.constant dense<2147483647> : vector<256xi32>
      %reduce_min3A_33 = vector.multi_reduction <minsi>, %select_n3A, %reduce_min3A_32 [1] : vector<256x50xi32> to vector<256xi32>
      %broadcast_in_dim3A_34 = vector.shape_cast %reduce_min3A_33 : vector<256xi32> to vector<256x1xi32>
      %eq3A_35 = vector.broadcast %scan3A_25 : i32 to vector<256x20xi32>
      %eq3A_36 = arith.cmpi eq, %iota3A_4, %eq3A_35 : vector<256x20xi32>
      %add3A_37 = arith.addi %mul3A_13, %broadcast_in_dim3A_34 : vector<256x1xi32>
      %broadcast_in_dim3A_38 = vector.shape_cast %add3A_37 : vector<256x1xi32> to vector<256x1xi32>
      %broadcast_in_dim3A_39 = vector.broadcast %broadcast_in_dim3A_38 : vector<256x1xi32> to vector<256x20xi32>
      %select_n3A_40 = arith.select %eq3A_36, %broadcast_in_dim3A_39, %scan3A_27 : vector<256x20xi1>, vector<256x20xi32>
      %eq3A_41 = vector.broadcast %broadcast_in_dim3A_34 : vector<256x1xi32> to vector<256x50xi32>
      %eq3A_42 = arith.cmpi eq, %iota3A, %eq3A_41 : vector<256x50xi32>
      %jit3A_43 = arith.constant 0x7F800000 : f32
      %broadcast_in_dim3A_44 = vector.broadcast %jit3A_43 : f32 to vector<256x50xf32>
      %select_n3A_45 = arith.select %eq3A_42, %broadcast_in_dim3A_44, %scan3A_26 : vector<256x50xi1>, vector<256x50xf32>
      scf.yield %select_n3A_45, %select_n3A_40 : vector<256x50xf32>, vector<256x20xi32>
    }
    %scan3A_19 = arith.constant 20 : i32
    %swap3A = arith.constant 0 : index
    %swap3A_20 = arith.constant 0 : index
    %swap3A_21 = arith.constant 0 : index
    %swap3A_22 = vector.load %arg3[%swap3A, %swap3A_20, %swap3A_21] : memref<1x256x20xi32, #tpu.memory_space<vmem>>, vector<1x256x20xi32>
    %swap3A_23 = vector.shape_cast %swap3A_22 : vector<1x256x20xi32> to vector<256x20xi32>
    %swap3A_24 = vector.shape_cast %scan3A_18#1 : vector<256x20xi32> to vector<1x256x20xi32>
    tpu.vector_store %arg3[%swap3A, %swap3A_20, %swap3A_21], %swap3A_24 {strides = array<i32>} : memref<1x256x20xi32, #tpu.memory_space<vmem>>, vector<1x256x20xi32>,
    return
  }
  func.func @transform_0(%arg0: i32, %arg1: i32) -> (i32, i32, i32) {
    %c0_i32 = arith.constant 0 : i32
    %c0_i32_0 = arith.constant 0 : i32
    return %arg0, %arg1, %c0_i32 : i32, i32, i32
  }
  func.func @transform_1(%arg0: i32, %arg1: i32) -> (i32, i32, i32) {
    %c0_i32 = arith.constant 0 : i32
    %c0_i32_0 = arith.constant 0 : i32
    return %arg0, %arg1, %c0_i32 : i32, i32, i32
  }
}

module attributes {stable_mosaic.version = 14 : i64} {
  func.func @_finish_body(%arg0: i32, %arg1: i32, %arg2: memref<1x256x20x128xf32, #tpu.memory_space<vmem>>, %arg3: memref<1x256x32xf32, #tpu.memory_space<vmem>>, %arg4: memref<1x256x20x32xf32, #tpu.memory_space<vmem>>) attributes {dimension_semantics = [#tpu.dimension_semantics<arbitrary>, #tpu.dimension_semantics<arbitrary>], iteration_bounds = array<i64: 4, 4>, scalar_prefetch = 0 : i64, scratch_operands = 0 : i64, tpu.core_type = #tpu.core_type<tc>, window_params = [{transform_indices = @transform_0, window_bounds = array<i64: 1, 256, 20, 128>}, {transform_indices = @transform_1, window_bounds = array<i64: 1, 256, 32>}, {transform_indices = @transform_2, window_bounds = array<i64: 1, 256, 20, 32>}]} {
    %get3A = arith.constant 0 : index
    %get3A_0 = arith.constant 0 : index
    %get3A_1 = arith.constant 0 : index
    %get3A_2 = arith.constant 0 : index
    %get3A_3 = vector.load %arg2[%get3A, %get3A_0, %get3A_1, %get3A_2] : memref<1x256x20x128xf32, #tpu.memory_space<vmem>>, vector<1x256x20x128xf32>
    %get3A_4 = vector.shape_cast %get3A_3 : vector<1x256x20x128xf32> to vector<256x20x128xf32>
    %slice3A = vector.extract_strided_slice %get3A_4 {offsets = [0, 0, 0], sizes = [256, 20, 32], strides = [1, 1, 1]} : vector<256x20x128xf32> to vector<256x20x32xf32>
    %get3A_5 = arith.constant 0 : index
    %get3A_6 = arith.constant 0 : index
    %get3A_7 = arith.constant 0 : index
    %get3A_8 = vector.load %arg3[%get3A_5, %get3A_6, %get3A_7] : memref<1x256x32xf32, #tpu.memory_space<vmem>>, vector<1x256x32xf32>
    %get3A_9 = vector.shape_cast %get3A_8 : vector<1x256x32xf32> to vector<256x32xf32>
    %broadcast_in_dim3A = vector.shape_cast %get3A_9 : vector<256x32xf32> to vector<256x1x32xf32>
    %sub3A = vector.broadcast %broadcast_in_dim3A : vector<256x1x32xf32> to vector<256x20x32xf32>
    %sub3A_10 = arith.subf %slice3A, %sub3A : vector<256x20x32xf32>
    %swap3A = arith.constant 0 : index
    %swap3A_11 = arith.constant 0 : index
    %swap3A_12 = arith.constant 0 : index
    %swap3A_13 = arith.constant 0 : index
    %swap3A_14 = vector.load %arg4[%swap3A, %swap3A_11, %swap3A_12, %swap3A_13] : memref<1x256x20x32xf32, #tpu.memory_space<vmem>>, vector<1x256x20x32xf32>
    %swap3A_15 = vector.shape_cast %swap3A_14 : vector<1x256x20x32xf32> to vector<256x20x32xf32>
    %swap3A_16 = vector.shape_cast %sub3A_10 : vector<256x20x32xf32> to vector<1x256x20x32xf32>
    tpu.vector_store %arg4[%swap3A, %swap3A_11, %swap3A_12, %swap3A_13], %swap3A_16 {strides = array<i32>} : memref<1x256x20x32xf32, #tpu.memory_space<vmem>>, vector<1x256x20x32xf32>,
    return
  }
  func.func @transform_0(%arg0: i32, %arg1: i32) -> (i32, i32, i32, i32) {
    %c0_i32 = arith.constant 0 : i32
    %c0_i32_0 = arith.constant 0 : i32
    %c0_i32_1 = arith.constant 0 : i32
    return %arg0, %arg1, %c0_i32, %c0_i32_0 : i32, i32, i32, i32
  }
  func.func @transform_1(%arg0: i32, %arg1: i32) -> (i32, i32, i32) {
    %c0_i32 = arith.constant 0 : i32
    %c0_i32_0 = arith.constant 0 : i32
    return %arg0, %arg1, %c0_i32 : i32, i32, i32
  }
  func.func @transform_2(%arg0: i32, %arg1: i32) -> (i32, i32, i32, i32) {
    %c0_i32 = arith.constant 0 : i32
    %c0_i32_0 = arith.constant 0 : i32
    %c0_i32_1 = arith.constant 0 : i32
    return %arg0, %arg1, %c0_i32, %c0_i32_0 : i32, i32, i32, i32
  }
}

</mosaic_0001>

<sc_bundles>
// kernel: kernel.12.cloned.1.call-start
scs
__scs_entry_jumppad:
0x0: {  	(pc) =	sbr.rel $0x88, $3  }
0x1: {  	(tag) =	ssettag $0x0;
	lr =	simm.s32 $0x1  }
0x2: {  	[smem:$0x3F92] =	sst lr;
	_ =	strace $0xD0000000  }
0x3: {  	_ = 	snop  }
0x4: {  	_ = 	snop  }
0x5: {  	_ = 	snop  }
0x6: {  	_ = 	snop  }
0x7: {  	_ = 	snop  }
__scs_overlays_trampoline_lowered:
0x8: {  	[smem:$0x3FA1] =	sst s0  }
0x9: {  	[smem:$0x3FA2] =	sst s1  }
0xa: {  	[smem:$0x3FA3] =	sst s2  }
0xb: {  	[smem:$0x3FA4] =	sst s3  }
0xc: {  	[smem:$0x3FA5] =	sst s4  }
0xd: {  	[smem:$0x3FA6] =	sst s5  }
0xe: {  	[smem:$0x3FA7] =	sst s6  }
0xf: {  	[smem:$0x3FA8] =	sst s7  }
0x10: {  	[smem:$0x3FA9] =	sst s8  }
0x11: {  	[smem:$0x3FAA] =	sst s9;
	s0 =	simm.s32 @!p0 $0x0  }
0x12: {  	s1 =	sld [smem:$0x3F90];
	s0 =	simm.s32 @p0 $0x1  }
0x13: {  	[smem:$0x3FAB] =	sst s0;
	s0 =	simm.s32 @!p1 $0x0  }
0x14: {  	s2 =	sld [smem:$0x3F8F];
	s0 =	simm.s32 @p1 $0x1  }
0x15: {  	[smem:$0x3FAC] =	sst s0;
	s0 =	simm.s32 @!p2 $0x0  }
0x16: {  	s3 =	sld [smem:$0x3FDB];
	s0 =	simm.s32 @p2 $0x1  }
0x17: {  	s4 =	simm.s32 $0x1BF5;
	[smem:$0x3FAE] =	sst s0  }
0x18: {  	s0 =	sld [smem:$0x3F91];
	_ =	swait.ge [sflag:s4], $0x0  }
0x19: {  	s7 =	sld [smem:$0x3F92]  }
0x1a: {  	s8 =	sadd.s32 $0xFFFFE003, lr  }
0x1b: {  	s9 =	sadd.s32 $0xFFFFFEF7, lr;
	s5 =	simm.s32 $0xFFFFFFFF;
	p2 =	slt.u32 s8, $0xFFFFF086  }
0x1c: {  	p1 =	slt.u32 s9, $0xF7A;
	s5 =	simm.s32 @!p2 $0x0  }
0x1d: {  	s5 =	simm.s32 @p1 $0x1;
	p0 =	seq.s32 s7, s2  }
0x1e: {  	s7 =	smul.u32 @!p0 $0xF7A, s2;
	p2 =	seq.s32 @!p0 s5, $0x0  }
0x1f: {  	s9 =	smul.u32 $0xF7A, s1;
	s8 =	simm.s32 @!p0 $0x1BF5;
	p2 =	por !p2, p0  }
0x20: {  	[sflag:s8] =	ssyncset.s32 @!p0 $0xFFFFF086;
	s6 =	sadd.s32 @!p0 s3, s7;
	s7 =	simm.s32 @!p0 $0x108  }
0x21: {  	s3 =	sadd.s32 s3, s9;
	s6 =	sadd.s32 @!p0 $0x88, s6;
	s7 =	simm.s32 @p2 $0x1082  }
0x22: {  	[simem:s7], [sflag:s8] =	dma.local @!p0 [hbm:s6], $0xF7A  }
0x23: {  	s9 =	sor.u32 $0xD0000000, s2;
	s6 =	simm.s32 $0x108;
	_ =	swait.ge @!p0 [sflag:s8], $0x0  }
0x24: {  	s3 =	sadd.s32 $0x88, s3;
	s6 =	simm.s32 @!p1 $0x1082;
	[sflag:s4] =	ssyncset.s32 $0xFFFFF086  }
0x25: {  	[simem:s6], [sflag:s4] =	dma.local [hbm:s3], $0xF7A  }
0x26: {  	[smem:$0x3F92] =	sst s1;
	(tag) =	ssettag s2;
	_ =	strace s9  }
0x27: {  	s1 =	sld [smem:$0x3FA2]  }
0x28: {  	s2 =	sld [smem:$0x3FA3]  }
0x29: {  	s4 =	sld [smem:$0x3FA5]  }
0x2a: {  	p0 =	seq.s32 s5, $0x0;
	s5 =	sld [smem:$0x3FA6]  }
0x2b: {  	s6 =	sld [smem:$0x3FA7]  }
0x2c: {  	s7 =	sld [smem:$0x3FA8]  }
0x2d: {  	s3 =	simm.s32 $0x108;
	s8 =	sld [smem:$0x3FA9]  }
0x2e: {  	s3 =	simm.s32 @!p0 $0x1082;
	s9 =	sld [smem:$0x3FAA]  }
0x2f: {  	lr =	sadd.s32 s0, s3;
	s0 =	sld [smem:$0x3FA1]  }
0x30: {  	s3 =	sld [smem:$0x3FA4]  }
0x31: {  	[smem:$0x3FAD] =	sst s10  }
0x32: {  	s10 =	sld [smem:$0x3FAB];
	_ =	sdelay $0x3  }
0x33: {  	p0 =	seq.s32 s10, $0x1;
	s10 =	sld [smem:$0x3FAD];
	_ =	sdelay $0x3  }
0x34: {  	[smem:$0x3FAD] =	sst s10  }
0x35: {  	s10 =	sld [smem:$0x3FAC];
	_ =	sdelay $0x3  }
0x36: {  	p1 =	seq.s32 s10, $0x1;
	s10 =	sld [smem:$0x3FAD];
	_ =	sdelay $0x3  }
0x37: {  	[smem:$0x3FAD] =	sst s10  }
0x38: {  	s10 =	sld [smem:$0x3FAE]  }
0x39: {  	_ = 	snop;
	(pc) =	sbr.ind lr, $3  }
0x3a: {  	_ = 	snop  }
0x3b: {  	_ = 	snop  }
0x3c: {  	p2 =	seq.s32 s10, $0x1;
	s10 =	sld [smem:$0x3FAD]  }
0x3d: {  	_ =	shalt  }
0x3e: {  	_ =	shalt  }
0x3f: {  	_ =	shalt  }
0x40: {  	_ =	shalt  }
0x41: {  	_ =	shalt  }
0x42: {  	_ =	shalt  }
0x43: {  	_ =	shalt  }
0x44: {  	_ =	shalt  }
0x45: {  	_ =	shalt  }
0x46: {  	_ =	shalt  }
0x47: {  	_ =	shalt  }
0x48: {  	_ =	shalt  }
0x49: {  	_ =	shalt  }
0x4a: {  	_ =	shalt  }
0x4b: {  	_ =	shalt  }
0x4c: {  	_ =	shalt  }
0x4d: {  	_ =	shalt  }
0x4e: {  	_ =	shalt  }
0x4f: {  	_ =	shalt  }
0x50: {  	_ =	shalt  }
0x51: {  	_ =	shalt  }
0x52: {  	_ =	shalt  }
0x53: {  	_ =	shalt  }
0x54: {  	_ =	shalt  }
0x55: {  	_ =	shalt  }
0x56: {  	_ =	shalt  }
0x57: {  	_ =	shalt  }
0x58: {  	_ =	shalt  }
0x59: {  	_ =	shalt  }
0x5a: {  	_ =	shalt  }
0x5b: {  	_ =	shalt  }
0x5c: {  	_ =	shalt  }
0x5d: {  	_ =	shalt  }
0x5e: {  	_ =	shalt  }
0x5f: {  	_ =	shalt  }
0x60: {  	_ =	shalt  }
0x61: {  	_ =	shalt  }
0x62: {  	_ =	shalt  }
0x63: {  	_ =	shalt  }
0x64: {  	_ =	shalt  }
0x65: {  	_ =	shalt  }
0x66: {  	_ =	shalt  }
0x67: {  	_ =	shalt  }
0x68: {  	_ =	shalt  }
0x69: {  	_ =	shalt  }
0x6a: {  	_ =	shalt  }
0x6b: {  	_ =	shalt  }
0x6c: {  	_ =	shalt  }
0x6d: {  	_ =	shalt  }
0x6e: {  	_ =	shalt  }
0x6f: {  	_ =	shalt  }
0x70: {  	_ =	shalt  }
0x71: {  	_ =	shalt  }
0x72: {  	_ =	shalt  }
0x73: {  	_ =	shalt  }
0x74: {  	_ =	shalt  }
0x75: {  	_ =	shalt  }
0x76: {  	_ =	shalt  }
0x77: {  	_ =	shalt  }
0x78: {  	_ =	shalt  }
0x79: {  	_ =	shalt  }
0x7a: {  	_ =	shalt  }
0x7b: {  	_ =	shalt  }
0x7c: {  	_ =	shalt  }
0x7d: {  	_ =	shalt  }
0x7e: {  	_ =	shalt  }
0x7f: {  	_ =	shalt  }
0x80: {  	_ =	shalt  }
0x81: {  	_ =	shalt  }
0x82: {  	_ =	shalt  }
0x83: {  	_ =	shalt  }
0x84: {  	_ =	shalt  }
0x85: {  	_ =	shalt  }
0x86: {  	_ =	shalt  }
0x87: {  	_ =	shalt  }
.Lfunc_end0:
.L_simem_size_0:
called_computation.1_lowered:
.L_overlay_start_0:
0x88: {  	s2 =	sld [smem:$0x3FD9]  }
0x89: {  	s3 =	sld [smem:$0x3FFE];
	_ =	sdelay $0x1  }
0x8a: {  	s1 =	srdreg.scid  }
0x8b: {  	s0 =	sand.u32 $0x1, s1  }
0x8c: {  	s17 =	sshll.u32 s0, $0xA;
	s2 =	sadd.s32 s3, s2  }
0x8d: {  	s2 =	sadd.s32 s2, s17  }
0x8e: {  	[smem:$0x3FB9] =	sst s2  }
0x8f: {  	_ = 	snop  }
0x90: {  	s2 =	sld [smem:$0x3FD0];
	(tm) =	ssettm $0x1  }
0x91: {  	s18 =	sld [smem:$0x3FFB];
	_ =	sdelay $0x3  }
0x92: {  	_ =	strace s18  }
0x93: {  	s3 =	sld [smem:$0x3FFC];
	_ =	sdelay $0x3  }
0x94: {  	_ =	strace s3  }
0x95: {  	s3 =	sld [smem:$0x3FFD];
	_ =	sdelay $0x3  }
0x96: {  	_ =	strace s3  }
0x97: {  	_ =	strace $0x8FFFFFFF  }
0x98: {  	s19 =	sld [smem:$0x3FDB];
	_ =	sdelay $0x1  }
0x99: {  	s4 =	simm.s32 $_scs_section_size  }
0x9a: {  	s5 =	simm.s32 $_size__tile_overlayer_lowered;
	s6 =	simm.s32 $_tile_overlayer_lowered  }
0x9b: {  	s22 =	simm.s32 $0x1BFF;
	s21 =	sshll.u32 s6, $0x1;
	s3 =	sadd.s32 s4, s19  }
0x9c: {  	s7 =	simm.s32 $0x0;
	s20 =	sshll.u32 s5, $0x1;
	s5 =	sadd.s32 s21, s3  }
0x9d: {  	[timem:s7], [sflag:s22] =	dma.local [hbm:s5], s20  }
0x9e: {  	_ =	swait.ge [sflag:s22], s20  }
0x9f: {  	s4 =	ssub.s32 $0x0, s20;
	[sflag:s22] =	ssyncset.done $0x0  }
0xa0: {  	[sflag:s22] =	ssyncadd.s32 s4;
	_ =	sdelay $0x1  }
0xa1: {  	s23 =	simm.s32 $0x1B8B  }
0xa2: {  	_ =	swait.ge [sflag:s23], $0x1  }
0xa3: {  	[sflag:s23] =	ssyncset.done $0x0  }
0xa4: {  	s25 =	simm.s32 $0x1B8E;
	s24 =	sld [smem:$0x3FFE];
	[sflag:s23] =	ssyncadd.s32 $0xFFFFFFFF  }
0xa5: {  	s26 =	simm.s32 $execute0_lowered;
	[smem:$0x3FD2] =	sst s25  }
0xa6: {  	s5 =	sshll.u32 s26, $0x1;
	_ =	strace $0x80000049;
	[dreg:$0x1] =	wrdreg $0xFFFFFFFF  }
0xa7: {  	s28 =	simm.s32 $_size_execute0_lowered;
	s3 =	sadd.s32 s3, s5;
	[dreg:$0x0] =	wrdreg $0x0  }
0xa8: {  	s5 =	sshll.u32 s28, $0x1;
	[dreg:$0x2] =	wrdreg s3  }
0xa9: {  	[dreg:$0x3] =	wrdreg s5  }
0xaa: {  	[dreg:$0x4] =	wrdreg $0xC0  }
0xab: {  	_ =	task [dreg:s7], $0x5FFFF  }
0xac: {  	[dreg:$0x1] =	wrdreg $0xFFFFFFFF  }
0xad: {  	[dreg:$0x0] =	wrdreg $0x60  }
0xae: {  	[dreg:$0x2] =	wrdreg s24  }
0xaf: {  	[dreg:$0x3] =	wrdreg s2  }
0xb0: {  	[dreg:$0x4] =	wrdreg $0x9  }
0xb1: {  	_ =	task.clear_ibuf [dreg:s7], $0x5FFFF;
	_ =	strace $0x90000049  }
0xb2: {  	s29 =	simm.s32 $0x9;
	_ =	strace $0x8000004B  }
0xb3: {  	_ =	swait.ge [sflag:s29], $0x1  }
0xb4: {  	[sflag:s29] =	ssyncadd.s32 $0xFFFFFFFF  }
0xb5: {  	_ =	strace $0x9000004B  }
0xb6: {  	_ =	sfence  }
0xb7: {  	s30 =	sld [smem:$0x0];
	_ =	sdelay $0x2  }
0xb8: {  	s31 =	sshll.u32 s1, $0xD;
	s1 =	sshrl.u32 s1, $0x2  }
0xb9: {  	s3 =	sand.u32 $0x4000, s31;
	s1 =	sadd.s32 s1, s30  }
0xba: {  	s0 =	sor.u32 s3, s0;
	s1 =	sshll.u32 s1, $0x11  }
0xbb: {  	s0 =	sor.u32 s1, s0  }
0xbc: {  	s0 =	sadd.s32 $0x8F2B, s0  }
0xbd: {  	[sflag:s0] =	ssyncadd.remote.s32 $0x1  }
0xbe: {  	_ =	sfence.sel $0xFFFF  }
0xbf: {  	[dreg:$0x0] =	wrdreg $0xFFFFFFFF;
	(pc) =	sbr.abs _section_cstart, $3  }
0xc0: {  	[dreg:$0x1] =	wrdreg $0xFFFFFFFF  }
0xc1: {  	_ =	task.clear_ibuf [dreg:s7], $0x2FFFF;
	_ =	strace $0x9FFFFFFF  }
0xc2: {  	(tm) =	ssettm $0x7FFFFFFF  }
0xc3: {  	_ =	shalt  }
tec
execute0_lowered:
.L_overlay_start_1:
0x0: {  	(tag) =	ssettag $0x1  }
0x1: {  	s4 =	rddreg [dreg:$0x0]  }
0x2: {  	s5 =	rddreg [dreg:$0x1]  }
0x3: {  	s1 =	stileid.u32;
	s2 =	srdreg.scid  }
0x4: {  	s0 =	rddreg [dreg:$0x2];
	s11 =	simm.s32 $0x0;
	s3 =	sand.u32 $0x1, s2  }
0x5: {  	s6 =	sshll.u32 s1, $0x1;
	s2 =	simm.s32 $0x0;
	s7 =	smul.u32 $0x14000, s1  }
0x6: {  	s6 =	sor.u32 s3, s6;
	[smem:$0x7FF] =	sst s2;
	s10 =	smul.u32 $0xA000, s3  }
0x7: {  	s8 =	ssub.s32 $0x2, s3;
	s3 =	sadd.s32 $0x19C00, s4;
	s6 =	smul.u32 $0x180, s6  }
0x8: {  	_ =	strace $0x8000004A;
	s9 =	sshrl.u32 s8, $0x1;
	s7 =	sadd.s32 s7, s4  }
0x9: {  	s8 =	ssub.s32 s8, s9;
	s31 =	sadd.s32 s10, s7;
	s7 =	simm.s32 $0x2  }
0xa: {  	s9 =	simm.s32 $0xC00;
	s10 =	simm.s32 $0x1;
	s4 =	sadd.s32 s5, s6  }
0xb: {  	s5 =	smax.u32 s8, $0x1;
	s6 =	sadd.s32 $0x339C00, s31;
	s8 =	simm.s32 $0x80  }
.LBB2_1:
0xc: {  	[tilespmem:s2], [sflag:$0x2] =	stream.linear.gather [hbm4b:s4+s2], $0xA00, $0x38;
	[tilespmem:$0x4C00] =	vst v63  }
0xd: {  	_ =	swait.ge [sflag:s7], $0xA00  }
0xe: {  	[sflag:s7] =	ssyncset.done $0x0  }
0xf: {  	s12 =	simm.s32 $0x0;
	[sflag:s7] =	ssyncadd.s32 $0xFFFFF600  }
0x10: {  	[tilespmem:s9], [sflag:$0x1] =	stream.indirect.gather [hbm4b:s3+s8], $0x80, s12, s8, $0xb8;
	[tilespmem:$0x4C00] =	vst v63  }
0x11: {  	_ =	swait.ge [sflag:s10], $0x4000  }
0x12: {  	[sflag:s10] =	ssyncset.done $0x0  }
0x13: {  	[sflag:s10] =	ssyncadd.s32 $0xFFFFC000  }
0x14: {  	[hbm4b:s6+s2] =	stream.linear.scatter [tilespmem:s9], [sflag:$0x2], $0x4000, $0x38;
	[tilespmem:$0x4C00] =	vst v63  }
0x15: {  	s13 =	simm.s32 $0x200;
	_ =	swait.ge [sflag:s7], $0x4000  }
0x16: {  	s14 =	simm.s32 $0x400;
	s12 =	sadd.s32 $0x800, s6;
	[sflag:s7] =	ssyncset.done $0x0  }
.LBB2_2:
0x17: {  	s15 =	sshra.s32 s13, $0x2  }
0x18: {  	[sflag:s7] =	ssyncadd.s32 $0xFFFFC000;
	s13 =	smov.u32 s14;
	s16 =	sadd.s32 $0x200, s14  }
0x19: {  	[tilespmem:s9], [sflag:$0x1] =	stream.indirect.gather [hbm4b:s3+s8], $0x80, s15, s8, $0xb8;
	[tilespmem:$0x4C00] =	vst v63  }
0x1a: {  	p0 =	sne.s32 s14, $0x2600;
	_ =	swait.ge [sflag:s10], $0x4000  }
.Ltmp0:
0x1b: {  	[sflag:s10] =	ssyncset.done $0x0;
	(pc) =	sbr.rel @p0 .LBB2_2-.Ltmp0, $4  }
0x1c: {  	[sflag:s10] =	ssyncadd.s32 $0xFFFFC000  }
0x1d: {  	[hbm4b:s12+s2] =	stream.linear.scatter [tilespmem:s9], [sflag:$0x2], $0x4000, $0x38;
	[tilespmem:$0x4C00] =	vst v63  }
0x1e: {  	_ =	swait.ge [sflag:s7], $0x4000  }
0x1f: {  	s14 =	smov.u32 s16;
	s12 =	sadd.s32 $0x800, s12;
	[sflag:s7] =	ssyncset.done $0x0  }
0x20: {  	s13 =	sshra.s32 s13, $0x2;
	[sflag:s7] =	ssyncadd.s32 $0xFFFFC000  }
0x21: {  	[tilespmem:s9], [sflag:$0x1] =	stream.indirect.gather [hbm4b:s3+s8], $0x80, s13, s8, $0xb8;
	[tilespmem:$0x4C00] =	vst v63  }
0x22: {  	s11 =	sadd.s32 $0x1, s11;
	_ =	swait.ge [sflag:s10], $0x4000  }
0x23: {  	p0 =	sne.s32 s11, s5;
	[sflag:s10] =	ssyncset.done $0x0  }
.Ltmp1:
0x24: {  	[sflag:s10] =	ssyncadd.s32 $0xFFFFC000;
	(pc) =	sbr.rel @p0 .LBB2_1-.Ltmp1, $4  }
0x25: {  	[hbm4b:s12+s2] =	stream.linear.scatter [tilespmem:s9], [sflag:$0x2], $0x4000, $0x38;
	[tilespmem:$0x4C00] =	vst v63  }
0x26: {  	_ =	swait.ge [sflag:s7], $0x4000  }
0x27: {  	[sflag:s7] =	ssyncset.done $0x0  }
0x28: {  	[sflag:s7] =	ssyncadd.s32 $0xFFFFC000  }
0x29: {  	_ =	sfence.sel $0x180000  }
0x2a: {  	[bflag:$0x0] =	sbarrier.arrive $0xFFFF  }
0x2b: {  	p0 =	sne.s32 s1, $0x0;
	_ =	strace $0x9000004A  }
0x2c: {  	s0 =	sadd.s32 @!p0 $0x100000, s0;
	[bflag:$0x2] =	sbarrier.arrive $0xFFFF  }
0x2d: {  	[sflag:s0] =	ssyncadd.tile.s32 @!p0 $0x1;
	_ =	shalt  }
.Lfunc_end2:
_tile_overlayer_lowered:
.L_overlay_start_2:
0x2e: {  	(tag) =	ssettag $0x2  }
0x2f: {  	s0 =	rddreg [dreg:$0x0];
	s2 =	stileid.u32  }
0x30: {  	s1 =	rddreg [dreg:$0x1];
	p0 =	sne.s32 s2, $0x0  }
0x31: {  	s3 =	rddreg [dreg:$0x2];
	[bflag:$0x3] =	sbarrier.arrive $0xFFFF;
	s2 =	simm.s32 @!p0 $0x1C02  }
0x32: {  	[timem:s3], [sflag:s2] =	dma.local @!p0 [hbm:s0], s1  }
0x33: {  	s0 =	simm.s32 @!p0 $0x2  }
0x34: {  	_ =	swait.ge @!p0 [sflag:s0], s1  }
0x35: {  	s1 =	ssub.s32 @!p0 $0x0, s1;
	[sflag:s0] =	ssyncset.done @!p0 $0x0  }
0x36: {  	[sflag:s0] =	ssyncadd.s32 @!p0 s1  }
0x37: {  	[bflag:$0x3] =	sbarrier.arrive $0xFFFF  }
0x38: {  	_ =	shalt  }

// kernel: kernel.9.cloned.1.call-start
scs
__scs_entry_jumppad:
0x0: {  	(pc) =	sbr.rel $0x88, $3  }
0x1: {  	(tag) =	ssettag $0x0;
	lr =	simm.s32 $0x1  }
0x2: {  	[smem:$0x3F92] =	sst lr;
	_ =	strace $0xD0000000  }
0x3: {  	_ = 	snop  }
0x4: {  	_ = 	snop  }
0x5: {  	_ = 	snop  }
0x6: {  	_ = 	snop  }
0x7: {  	_ = 	snop  }
__scs_overlays_trampoline_lowered:
0x8: {  	[smem:$0x3FA1] =	sst s0  }
0x9: {  	[smem:$0x3FA2] =	sst s1  }
0xa: {  	[smem:$0x3FA3] =	sst s2  }
0xb: {  	[smem:$0x3FA4] =	sst s3  }
0xc: {  	[smem:$0x3FA5] =	sst s4  }
0xd: {  	[smem:$0x3FA6] =	sst s5  }
0xe: {  	[smem:$0x3FA7] =	sst s6  }
0xf: {  	[smem:$0x3FA8] =	sst s7  }
0x10: {  	[smem:$0x3FA9] =	sst s8  }
0x11: {  	[smem:$0x3FAA] =	sst s9;
	s0 =	simm.s32 @!p0 $0x0  }
0x12: {  	s1 =	sld [smem:$0x3F90];
	s0 =	simm.s32 @p0 $0x1  }
0x13: {  	[smem:$0x3FAB] =	sst s0;
	s0 =	simm.s32 @!p1 $0x0  }
0x14: {  	s2 =	sld [smem:$0x3F8F];
	s0 =	simm.s32 @p1 $0x1  }
0x15: {  	[smem:$0x3FAC] =	sst s0;
	s0 =	simm.s32 @!p2 $0x0  }
0x16: {  	s3 =	sld [smem:$0x3FDB];
	s0 =	simm.s32 @p2 $0x1  }
0x17: {  	s4 =	simm.s32 $0x1BF5;
	[smem:$0x3FAE] =	sst s0  }
0x18: {  	s0 =	sld [smem:$0x3F91];
	_ =	swait.ge [sflag:s4], $0x0  }
0x19: {  	s7 =	sld [smem:$0x3F92]  }
0x1a: {  	s8 =	sadd.s32 $0xFFFFE003, lr  }
0x1b: {  	s9 =	sadd.s32 $0xFFFFFEF7, lr;
	s5 =	simm.s32 $0xFFFFFFFF;
	p2 =	slt.u32 s8, $0xFFFFF086  }
0x1c: {  	p1 =	slt.u32 s9, $0xF7A;
	s5 =	simm.s32 @!p2 $0x0  }
0x1d: {  	s5 =	simm.s32 @p1 $0x1;
	p0 =	seq.s32 s7, s2  }
0x1e: {  	s7 =	smul.u32 @!p0 $0xF7A, s2;
	p2 =	seq.s32 @!p0 s5, $0x0  }
0x1f: {  	s9 =	smul.u32 $0xF7A, s1;
	s8 =	simm.s32 @!p0 $0x1BF5;
	p2 =	por !p2, p0  }
0x20: {  	[sflag:s8] =	ssyncset.s32 @!p0 $0xFFFFF086;
	s6 =	sadd.s32 @!p0 s3, s7;
	s7 =	simm.s32 @!p0 $0x108  }
0x21: {  	s3 =	sadd.s32 s3, s9;
	s6 =	sadd.s32 @!p0 $0x88, s6;
	s7 =	simm.s32 @p2 $0x1082  }
0x22: {  	[simem:s7], [sflag:s8] =	dma.local @!p0 [hbm:s6], $0xF7A  }
0x23: {  	s9 =	sor.u32 $0xD0000000, s2;
	s6 =	simm.s32 $0x108;
	_ =	swait.ge @!p0 [sflag:s8], $0x0  }
0x24: {  	s3 =	sadd.s32 $0x88, s3;
	s6 =	simm.s32 @!p1 $0x1082;
	[sflag:s4] =	ssyncset.s32 $0xFFFFF086  }
0x25: {  	[simem:s6], [sflag:s4] =	dma.local [hbm:s3], $0xF7A  }
0x26: {  	[smem:$0x3F92] =	sst s1;
	(tag) =	ssettag s2;
	_ =	strace s9  }
0x27: {  	s1 =	sld [smem:$0x3FA2]  }
0x28: {  	s2 =	sld [smem:$0x3FA3]  }
0x29: {  	s4 =	sld [smem:$0x3FA5]  }
0x2a: {  	p0 =	seq.s32 s5, $0x0;
	s5 =	sld [smem:$0x3FA6]  }
0x2b: {  	s6 =	sld [smem:$0x3FA7]  }
0x2c: {  	s7 =	sld [smem:$0x3FA8]  }
0x2d: {  	s3 =	simm.s32 $0x108;
	s8 =	sld [smem:$0x3FA9]  }
0x2e: {  	s3 =	simm.s32 @!p0 $0x1082;
	s9 =	sld [smem:$0x3FAA]  }
0x2f: {  	lr =	sadd.s32 s0, s3;
	s0 =	sld [smem:$0x3FA1]  }
0x30: {  	s3 =	sld [smem:$0x3FA4]  }
0x31: {  	[smem:$0x3FAD] =	sst s10  }
0x32: {  	s10 =	sld [smem:$0x3FAB];
	_ =	sdelay $0x3  }
0x33: {  	p0 =	seq.s32 s10, $0x1;
	s10 =	sld [smem:$0x3FAD];
	_ =	sdelay $0x3  }
0x34: {  	[smem:$0x3FAD] =	sst s10  }
0x35: {  	s10 =	sld [smem:$0x3FAC];
	_ =	sdelay $0x3  }
0x36: {  	p1 =	seq.s32 s10, $0x1;
	s10 =	sld [smem:$0x3FAD];
	_ =	sdelay $0x3  }
0x37: {  	[smem:$0x3FAD] =	sst s10  }
0x38: {  	s10 =	sld [smem:$0x3FAE]  }
0x39: {  	_ = 	snop;
	(pc) =	sbr.ind lr, $3  }
0x3a: {  	_ = 	snop  }
0x3b: {  	_ = 	snop  }
0x3c: {  	p2 =	seq.s32 s10, $0x1;
	s10 =	sld [smem:$0x3FAD]  }
0x3d: {  	_ =	shalt  }
0x3e: {  	_ =	shalt  }
0x3f: {  	_ =	shalt  }
0x40: {  	_ =	shalt  }
0x41: {  	_ =	shalt  }
0x42: {  	_ =	shalt  }
0x43: {  	_ =	shalt  }
0x44: {  	_ =	shalt  }
0x45: {  	_ =	shalt  }
0x46: {  	_ =	shalt  }
0x47: {  	_ =	shalt  }
0x48: {  	_ =	shalt  }
0x49: {  	_ =	shalt  }
0x4a: {  	_ =	shalt  }
0x4b: {  	_ =	shalt  }
0x4c: {  	_ =	shalt  }
0x4d: {  	_ =	shalt  }
0x4e: {  	_ =	shalt  }
0x4f: {  	_ =	shalt  }
0x50: {  	_ =	shalt  }
0x51: {  	_ =	shalt  }
0x52: {  	_ =	shalt  }
0x53: {  	_ =	shalt  }
0x54: {  	_ =	shalt  }
0x55: {  	_ =	shalt  }
0x56: {  	_ =	shalt  }
0x57: {  	_ =	shalt  }
0x58: {  	_ =	shalt  }
0x59: {  	_ =	shalt  }
0x5a: {  	_ =	shalt  }
0x5b: {  	_ =	shalt  }
0x5c: {  	_ =	shalt  }
0x5d: {  	_ =	shalt  }
0x5e: {  	_ =	shalt  }
0x5f: {  	_ =	shalt  }
0x60: {  	_ =	shalt  }
0x61: {  	_ =	shalt  }
0x62: {  	_ =	shalt  }
0x63: {  	_ =	shalt  }
0x64: {  	_ =	shalt  }
0x65: {  	_ =	shalt  }
0x66: {  	_ =	shalt  }
0x67: {  	_ =	shalt  }
0x68: {  	_ =	shalt  }
0x69: {  	_ =	shalt  }
0x6a: {  	_ =	shalt  }
0x6b: {  	_ =	shalt  }
0x6c: {  	_ =	shalt  }
0x6d: {  	_ =	shalt  }
0x6e: {  	_ =	shalt  }
0x6f: {  	_ =	shalt  }
0x70: {  	_ =	shalt  }
0x71: {  	_ =	shalt  }
0x72: {  	_ =	shalt  }
0x73: {  	_ =	shalt  }
0x74: {  	_ =	shalt  }
0x75: {  	_ =	shalt  }
0x76: {  	_ =	shalt  }
0x77: {  	_ =	shalt  }
0x78: {  	_ =	shalt  }
0x79: {  	_ =	shalt  }
0x7a: {  	_ =	shalt  }
0x7b: {  	_ =	shalt  }
0x7c: {  	_ =	shalt  }
0x7d: {  	_ =	shalt  }
0x7e: {  	_ =	shalt  }
0x7f: {  	_ =	shalt  }
0x80: {  	_ =	shalt  }
0x81: {  	_ =	shalt  }
0x82: {  	_ =	shalt  }
0x83: {  	_ =	shalt  }
0x84: {  	_ =	shalt  }
0x85: {  	_ =	shalt  }
0x86: {  	_ =	shalt  }
0x87: {  	_ =	shalt  }
.Lfunc_end0:
.L_simem_size_0:
called_computation_lowered:
.L_overlay_start_0:
0x88: {  	s2 =	sld [smem:$0x3FD9]  }
0x89: {  	s3 =	sld [smem:$0x3FFE];
	_ =	sdelay $0x1  }
0x8a: {  	s1 =	srdreg.scid  }
0x8b: {  	s0 =	sand.u32 $0x1, s1  }
0x8c: {  	s17 =	sshll.u32 s0, $0xA;
	s2 =	sadd.s32 s3, s2  }
0x8d: {  	s2 =	sadd.s32 s2, s17  }
0x8e: {  	[smem:$0x3FB9] =	sst s2  }
0x8f: {  	_ = 	snop  }
0x90: {  	s2 =	sld [smem:$0x3FD0];
	(tm) =	ssettm $0x1  }
0x91: {  	s18 =	sld [smem:$0x3FFB];
	_ =	sdelay $0x3  }
0x92: {  	_ =	strace s18  }
0x93: {  	s3 =	sld [smem:$0x3FFC];
	_ =	sdelay $0x3  }
0x94: {  	_ =	strace s3  }
0x95: {  	s3 =	sld [smem:$0x3FFD];
	_ =	sdelay $0x3  }
0x96: {  	_ =	strace s3  }
0x97: {  	_ =	strace $0x8FFFFFFF  }
0x98: {  	s19 =	sld [smem:$0x3FDB];
	_ =	sdelay $0x1  }
0x99: {  	s4 =	simm.s32 $_scs_section_size  }
0x9a: {  	s5 =	simm.s32 $_size__tile_overlayer_lowered;
	s6 =	simm.s32 $_tile_overlayer_lowered  }
0x9b: {  	s22 =	simm.s32 $0x1BFF;
	s21 =	sshll.u32 s6, $0x1;
	s3 =	sadd.s32 s4, s19  }
0x9c: {  	s7 =	simm.s32 $0x0;
	s20 =	sshll.u32 s5, $0x1;
	s5 =	sadd.s32 s21, s3  }
0x9d: {  	[timem:s7], [sflag:s22] =	dma.local [hbm:s5], s20  }
0x9e: {  	_ =	swait.ge [sflag:s22], s20  }
0x9f: {  	s4 =	ssub.s32 $0x0, s20;
	[sflag:s22] =	ssyncset.done $0x0  }
0xa0: {  	[sflag:s22] =	ssyncadd.s32 s4;
	_ =	sdelay $0x1  }
0xa1: {  	s23 =	simm.s32 $0x1B8B  }
0xa2: {  	_ =	swait.ge [sflag:s23], $0x1  }
0xa3: {  	[sflag:s23] =	ssyncset.done $0x0  }
0xa4: {  	s25 =	simm.s32 $0x1B8E;
	s24 =	sld [smem:$0x3FFE];
	[sflag:s23] =	ssyncadd.s32 $0xFFFFFFFF  }
0xa5: {  	s26 =	simm.s32 $execute0_lowered;
	[smem:$0x3FD2] =	sst s25  }
0xa6: {  	s5 =	sshll.u32 s26, $0x1;
	_ =	strace $0x80000046;
	[dreg:$0x1] =	wrdreg $0xFFFFFFFF  }
0xa7: {  	s28 =	simm.s32 $_size_execute0_lowered;
	s3 =	sadd.s32 s3, s5;
	[dreg:$0x0] =	wrdreg $0x0  }
0xa8: {  	s5 =	sshll.u32 s28, $0x1;
	[dreg:$0x2] =	wrdreg s3  }
0xa9: {  	[dreg:$0x3] =	wrdreg s5  }
0xaa: {  	[dreg:$0x4] =	wrdreg $0xC0  }
0xab: {  	_ =	task [dreg:s7], $0x5FFFF  }
0xac: {  	[dreg:$0x1] =	wrdreg $0xFFFFFFFF  }
0xad: {  	[dreg:$0x0] =	wrdreg $0x60  }
0xae: {  	[dreg:$0x2] =	wrdreg s2  }
0xaf: {  	[dreg:$0x3] =	wrdreg s24  }
0xb0: {  	[dreg:$0x4] =	wrdreg $0x9  }
0xb1: {  	_ =	task.clear_ibuf [dreg:s7], $0x5FFFF;
	_ =	strace $0x90000046  }
0xb2: {  	s29 =	simm.s32 $0x9;
	_ =	strace $0x80000048  }
0xb3: {  	_ =	swait.ge [sflag:s29], $0x1  }
0xb4: {  	[sflag:s29] =	ssyncadd.s32 $0xFFFFFFFF  }
0xb5: {  	_ =	strace $0x90000048  }
0xb6: {  	_ =	sfence  }
0xb7: {  	s30 =	sld [smem:$0x0];
	_ =	sdelay $0x2  }
0xb8: {  	s31 =	sshll.u32 s1, $0xD;
	s1 =	sshrl.u32 s1, $0x2  }
0xb9: {  	s3 =	sand.u32 $0x4000, s31;
	s1 =	sadd.s32 s1, s30  }
0xba: {  	s0 =	sor.u32 s3, s0;
	s1 =	sshll.u32 s1, $0x11  }
0xbb: {  	s0 =	sor.u32 s1, s0  }
0xbc: {  	s0 =	sadd.s32 $0x8F2B, s0  }
0xbd: {  	[sflag:s0] =	ssyncadd.remote.s32 $0x1  }
0xbe: {  	_ =	sfence.sel $0xFFFF  }
0xbf: {  	[dreg:$0x0] =	wrdreg $0xFFFFFFFF;
	(pc) =	sbr.abs _section_cstart, $3  }
0xc0: {  	[dreg:$0x1] =	wrdreg $0xFFFFFFFF  }
0xc1: {  	_ =	task.clear_ibuf [dreg:s7], $0x2FFFF;
	_ =	strace $0x9FFFFFFF  }
0xc2: {  	(tm) =	ssettm $0x7FFFFFFF  }
0xc3: {  	_ =	shalt  }
tec
execute0_lowered:
.L_overlay_start_1:
0x0: {  	(tag) =	ssettag $0x1  }
0x1: {  	s1 =	srdreg.scid;
	s2 =	rddreg [dreg:$0x0]  }
0x2: {  	s0 =	stileid.u32;
	s5 =	rddreg [dreg:$0x1]  }
0x3: {  	s3 =	simm.s32 $0x0;
	s11 =	simm.s32 $0x0;
	s4 =	sand.u32 $0x1, s1  }
0x4: {  	s28 =	sshll.u32 s0, $0x1;
	s1 =	rddreg [dreg:$0x2];
	s7 =	smul.u32 $0x32000, s0  }
0x5: {  	[smem:$0x7FF] =	sst s3;
	s6 =	sor.u32 s4, s28;
	s10 =	smul.u32 $0x19000, s4  }
0x6: {  	s8 =	ssub.s32 $0x2, s4;
	_ =	strace $0x80000047;
	s6 =	smul.u32 $0x380, s6  }
0x7: {  	s9 =	sshrl.u32 s8, $0x1;
	s30 =	sadd.s32 s7, s5;
	s7 =	simm.s32 $0x2  }
0x8: {  	s31 =	ssub.s32 s8, s9;
	s8 =	simm.s32 $0x80;
	s9 =	simm.s32 $0x1C00  }
0x9: {  	s29 =	sadd.s32 s6, s5;
	s5 =	smax.u32 s31, $0x1;
	s6 =	sadd.s32 s10, s30  }
0xa: {  	s10 =	simm.s32 $0x1;
	s4 =	sadd.s32 $0x12C00, s29;
	s6 =	sadd.s32 $0x19C00, s6  }
.LBB2_1:
0xb: {  	[tilespmem:s3], [sflag:$0x2] =	stream.linear.gather [hbm4b:s4+s3], $0x1900, $0x38;
	[tilespmem:$0x5C00] =	vst v63  }
0xc: {  	_ =	swait.ge [sflag:s7], $0x1900  }
0xd: {  	[sflag:s7] =	ssyncset.done $0x0  }
0xe: {  	s12 =	simm.s32 $0x0;
	[sflag:s7] =	ssyncadd.s32 $0xFFFFE700  }
0xf: {  	[tilespmem:s9], [sflag:$0x1] =	stream.indirect.gather [hbm4b:s2+s8], $0x80, s12, s8, $0xb8;
	[tilespmem:$0x5C00] =	vst v63  }
0x10: {  	_ =	swait.ge [sflag:s10], $0x4000  }
0x11: {  	[sflag:s10] =	ssyncset.done $0x0  }
0x12: {  	[sflag:s10] =	ssyncadd.s32 $0xFFFFC000  }
0x13: {  	[hbm4b:s6+s3] =	stream.linear.scatter [tilespmem:s9], [sflag:$0x2], $0x4000, $0x38;
	[tilespmem:$0x5C00] =	vst v63  }
0x14: {  	s13 =	simm.s32 $0x200;
	_ =	swait.ge [sflag:s7], $0x4000  }
0x15: {  	s14 =	simm.s32 $0x400;
	s12 =	sadd.s32 $0x800, s6;
	[sflag:s7] =	ssyncset.done $0x0  }
.LBB2_2:
0x16: {  	s15 =	sshra.s32 s13, $0x2  }
0x17: {  	[sflag:s7] =	ssyncadd.s32 $0xFFFFC000;
	s13 =	smov.u32 s14;
	s16 =	sadd.s32 $0x200, s14  }
0x18: {  	[tilespmem:s9], [sflag:$0x1] =	stream.indirect.gather [hbm4b:s2+s8], $0x80, s15, s8, $0xb8;
	[tilespmem:$0x5C00] =	vst v63  }
0x19: {  	p0 =	sne.s32 s14, $0x6200;
	_ =	swait.ge [sflag:s10], $0x4000  }
.Ltmp0:
0x1a: {  	[sflag:s10] =	ssyncset.done $0x0;
	(pc) =	sbr.rel @p0 .LBB2_2-.Ltmp0, $4  }
0x1b: {  	[sflag:s10] =	ssyncadd.s32 $0xFFFFC000  }
0x1c: {  	[hbm4b:s12+s3] =	stream.linear.scatter [tilespmem:s9], [sflag:$0x2], $0x4000, $0x38;
	[tilespmem:$0x5C00] =	vst v63  }
0x1d: {  	_ =	swait.ge [sflag:s7], $0x4000  }
0x1e: {  	s14 =	smov.u32 s16;
	s12 =	sadd.s32 $0x800, s12;
	[sflag:s7] =	ssyncset.done $0x0  }
0x1f: {  	s13 =	sshra.s32 s13, $0x2;
	[sflag:s7] =	ssyncadd.s32 $0xFFFFC000  }
0x20: {  	[tilespmem:s9], [sflag:$0x1] =	stream.indirect.gather [hbm4b:s2+s8], $0x80, s13, s8, $0xb8;
	[tilespmem:$0x5C00] =	vst v63  }
0x21: {  	s11 =	sadd.s32 $0x1, s11;
	_ =	swait.ge [sflag:s10], $0x4000  }
0x22: {  	p0 =	sne.s32 s11, s5;
	[sflag:s10] =	ssyncset.done $0x0  }
.Ltmp1:
0x23: {  	[sflag:s10] =	ssyncadd.s32 $0xFFFFC000;
	(pc) =	sbr.rel @p0 .LBB2_1-.Ltmp1, $4  }
0x24: {  	[hbm4b:s12+s3] =	stream.linear.scatter [tilespmem:s9], [sflag:$0x2], $0x4000, $0x38;
	[tilespmem:$0x5C00] =	vst v63  }
0x25: {  	_ =	swait.ge [sflag:s7], $0x4000  }
0x26: {  	[sflag:s7] =	ssyncset.done $0x0  }
0x27: {  	[sflag:s7] =	ssyncadd.s32 $0xFFFFC000  }
0x28: {  	_ =	sfence.sel $0x180000  }
0x29: {  	[bflag:$0x0] =	sbarrier.arrive $0xFFFF  }
0x2a: {  	p0 =	sne.s32 s0, $0x0;
	_ =	strace $0x90000047  }
0x2b: {  	s0 =	sadd.s32 @!p0 $0x100000, s1;
	[bflag:$0x2] =	sbarrier.arrive $0xFFFF  }
0x2c: {  	[sflag:s0] =	ssyncadd.tile.s32 @!p0 $0x1;
	_ =	shalt  }
.Lfunc_end2:
_tile_overlayer_lowered:
.L_overlay_start_2:
0x2d: {  	(tag) =	ssettag $0x2  }
0x2e: {  	s0 =	rddreg [dreg:$0x0];
	s2 =	stileid.u32  }
0x2f: {  	s1 =	rddreg [dreg:$0x1];
	p0 =	sne.s32 s2, $0x0  }
0x30: {  	s3 =	rddreg [dreg:$0x2];
	[bflag:$0x3] =	sbarrier.arrive $0xFFFF;
	s2 =	simm.s32 @!p0 $0x1C02  }
0x31: {  	[timem:s3], [sflag:s2] =	dma.local @!p0 [hbm:s0], s1  }
0x32: {  	s0 =	simm.s32 @!p0 $0x2  }
0x33: {  	_ =	swait.ge @!p0 [sflag:s0], s1  }
0x34: {  	s1 =	ssub.s32 @!p0 $0x0, s1;
	[sflag:s0] =	ssyncset.done @!p0 $0x0  }
0x35: {  	[sflag:s0] =	ssyncadd.s32 @!p0 s1  }
0x36: {  	[bflag:$0x3] =	sbarrier.arrive $0xFFFF  }
0x37: {  	_ =	shalt  }

</sc_bundles>
